<compile_context>
chip_gen: v7x
topology: tpu7x:2x2x1
jax: 0.10.2.dev20260603
libtpu: 0.0.44.dev20260713+nightly
codegen_flags: <defaults>
</compile_context>

<pallas_src>
import jax
import jax.numpy as jnp
from jax import lax
from jax.experimental import pallas as pl
from jax.experimental.pallas import tpu as pltpu
from jax.experimental.pallas import tpu_sc as plsc

_L = 16
_B = 64
_RPT = 8
_NTILES = _B // _RPT
_W = 128

_DN = lax.GatherDimensionNumbers(
    offset_dims=(), collapsed_slice_dims=(0,), start_index_map=(0,))


def _sc_body(table_hbm, rpi_hbm, plen_hbm, out_hbm,
             rpi_v, plen_v, chunks_v, out_v, sem, sem_in):
    wid = lax.axis_index("s")

    @pl.when(wid < _NTILES)
    def _():
        base = wid * _RPT
        cp_r = pltpu.async_copy(rpi_hbm.at[pl.ds(base, _RPT)],
                                rpi_v.at[pl.ds(0, _RPT)], sem_in)
        cp_p = pltpu.async_copy(plen_hbm.at[pl.ds(base, _RPT)],
                                plen_v.at[pl.ds(0, _RPT)], sem_in)
        cp_r.wait()
        cp_p.wait()
        r = rpi_v[...]
        p = plen_v[...]
        c = jnp.maximum(p - 1, 0)
        half = _RPT // 2
        sems = [sem, sem_in]
        copies = []
        for i in range(_RPT):
            ri = r[i]
            ci = c[i]
            r0i = pl.multiple_of((ri >> 3) << 3, 8)
            c0i = pl.multiple_of((ci >> 7) << 7, _W)
            di = 16 * i + 7 - (ri & 7)
            copies.append(
                pltpu.async_copy(table_hbm.at[pl.ds(r0i, 8), pl.ds(c0i, _W)],
                                 chunks_v.at[pl.ds(di, 8)], sems[i // half]))
        lane = lax.iota(jnp.int32, _L)
        acc = jnp.full((_L,), -1, jnp.int32)
        for i in range(_RPT):
            if i % half == 0:
                for cp in copies[i:i + half]:
                    cp.wait()
            ci = c[i]
            cw = pl.multiple_of(((ci & (_W - 1)) >> 4) << 4, 16)
            w = chunks_v[16 * i + 7, pl.ds(cw, 16)]
            idx = jnp.full((_L, 1), ci & 15, jnp.int32)
            g = lax.gather(w, idx, _DN, (1,),
                           mode=lax.GatherScatterMode.PROMISE_IN_BOUNDS)
            acc = jnp.where(lane == i, g, acc)
        out_v[...] = jnp.where(p > 0, acc, jnp.full_like(p, -1))
        pltpu.sync_copy(out_v.at[pl.ds(0, _RPT)], out_hbm.at[pl.ds(base, _RPT)])


def kernel(req_to_token, req_pool_indices_tensor, prefix_lens_tensor):
    out_dtype = prefix_lens_tensor.dtype
    table = req_to_token.astype(jnp.int32)
    rpi = req_pool_indices_tensor.astype(jnp.int32)
    plen = prefix_lens_tensor.astype(jnp.int32)

    mesh = plsc.VectorSubcoreMesh(core_axis_name="c", subcore_axis_name="s",
                                  num_cores=1)
    f = pl.kernel(
        _sc_body,
        out_type=jax.ShapeDtypeStruct((_B,), jnp.int32),
        mesh=mesh,
        scratch_types=[
            pltpu.VMEM((_L,), jnp.int32),
            pltpu.VMEM((_L,), jnp.int32),
            pltpu.VMEM((16 * _RPT, _W), jnp.int32),
            pltpu.VMEM((_L,), jnp.int32),
            pltpu.SemaphoreType.DMA,
            pltpu.SemaphoreType.DMA,
        ],
    )
    out = f(table, rpi, plen)
    return out.astype(out_dtype)

# --- scband reference (transcript-rebuilt; emitter-appended) ---
"""Pipeline reference for scband-model-sglang-24799141167557 (READ-ONLY COPY).

The authoritative reference and input builder live on the scoring server;
editing this copy changes nothing except your own understanding.
"""

import jax, jax.numpy as jnp
import numpy as np


def setup_inputs(seed: int = 0) -> dict:
    key = jax.random.key(seed)
    k1, k2, k3 = jax.random.split(key, 3)
    req_to_token = jax.random.randint(k1, (1024, 8192), 0, 131072, dtype=jnp.int64) if jax.config.jax_enable_x64 else jax.random.randint(k1, (1024, 8192), 0, 131072).astype(jnp.int64)
    req_pool_indices_tensor = jax.random.randint(k2, (64,), 0, 1024).astype(jnp.int64)
    prefix_lens_tensor = jax.random.randint(k3, (64,), 0, 8192).astype(jnp.int64)
    return {
        "req_to_token": req_to_token,
        "req_pool_indices_tensor": req_pool_indices_tensor,
        "prefix_lens_tensor": prefix_lens_tensor,
    }


def reference(req_to_token, req_pool_indices_tensor, prefix_lens_tensor):
    # Gather the last prefix token id for each request; -1 if prefix is empty.
    gathered = req_to_token[req_pool_indices_tensor, prefix_lens_tensor - 1]
    return jnp.where(
        prefix_lens_tensor > 0,
        gathered,
        jnp.full_like(prefix_lens_tensor, -1),
    )

if __name__ == "__main__":
    import jax
    _d = setup_inputs()
    print(jax.jit(kernel)(*tuple(_d.values())))

</pallas_src>

<mosaic_0001>
#map = affine_map<(d0, d1) -> (0, 0)>
#map1 = affine_map<(d0, d1) -> (0)>
module attributes {stable_mosaic.version = 14 : i64} {
  func.func @_sc_body(%arg0: i32, %arg1: i32, %arg2: memref<1024x8192xi32, #tpu.memory_space<hbm>>, %arg3: memref<64xi32, #tpu.memory_space<hbm>>, %arg4: memref<64xi32, #tpu.memory_space<hbm>>, %arg5: memref<64xi32, #tpu.memory_space<hbm>>, %arg6: memref<16xi32, #tpu.memory_space<vmem>>, %arg7: memref<16xi32, #tpu.memory_space<vmem>>, %arg8: memref<128x128xi32, #tpu.memory_space<vmem>>, %arg9: memref<16xi32, #tpu.memory_space<vmem>>, %arg10: memref<!tpu.dma_semaphore, #tpu.memory_space<semaphore_mem>>, %arg11: memref<!tpu.dma_semaphore, #tpu.memory_space<semaphore_mem>>) attributes {dimension_semantics = [#tpu.dimension_semantics<core_parallel>, #tpu.dimension_semantics<subcore_parallel>], iteration_bounds = array<i64: 1, 16>, scalar_prefetch = 0 : i64, scratch_operands = 6 : i64, tpu.core_type = #tpu.core_type<sc_vector_subcore>, window_params = [{transform_indices = #map}, {transform_indices = #map1}, {transform_indices = #map1}, {transform_indices = #map1}]} {
    %lt3A = arith.constant 8 : i32
    %lt3A_0 = arith.cmpi slt, %arg1, %lt3A : i32
    %convert_element_type3A = arith.extui %lt3A_0 : i1 to i32
    %cond3A = arith.constant 0 : i32
    %cond3A_1 = arith.cmpi ne, %convert_element_type3A, %cond3A : i32
    scf.if %cond3A_1 {
      %mul3A = arith.constant 8 : i32
      %mul3A_2 = arith.muli %arg1, %mul3A : i32
      %dma_start3A = arith.constant 0 : i32
      %dma_start3A_3 = tpu.memref_slice %arg6[%dma_start3A] : memref<16xi32, #tpu.memory_space<vmem>> -> memref<8xi32, #tpu.memory_space<vmem>>
      %dma_start3A_4 = tpu.memref_slice %arg3[%mul3A_2] : memref<64xi32, #tpu.memory_space<hbm>> -> memref<8xi32, #tpu.memory_space<hbm>>
      %dma_start3A_5 = arith.constant 0 : i32
      %dma_start3A_6 = tpu.memref_slice %arg6[%dma_start3A_5] : memref<16xi32, #tpu.memory_space<vmem>> -> memref<8xi32, #tpu.memory_space<vmem>>
      %dma_start3A_7 = tpu.memref_slice %arg3[%mul3A_2] : memref<64xi32, #tpu.memory_space<hbm>> -> memref<8xi32, #tpu.memory_space<hbm>>
      tpu.enqueue_dma source(%dma_start3A_7 : memref<8xi32, #tpu.memory_space<hbm>>) target(%dma_start3A_6 : memref<8xi32, #tpu.memory_space<vmem>>) target_semaphore(%arg11 : memref<!tpu.dma_semaphore, #tpu.memory_space<semaphore_mem>>)
      %dma_start3A_8 = arith.constant 0 : i32
      %dma_start3A_9 = tpu.memref_slice %arg7[%dma_start3A_8] : memref<16xi32, #tpu.memory_space<vmem>> -> memref<8xi32, #tpu.memory_space<vmem>>
      %dma_start3A_10 = tpu.memref_slice %arg4[%mul3A_2] : memref<64xi32, #tpu.memory_space<hbm>> -> memref<8xi32, #tpu.memory_space<hbm>>
      %dma_start3A_11 = arith.constant 0 : i32
      %dma_start3A_12 = tpu.memref_slice %arg7[%dma_start3A_11] : memref<16xi32, #tpu.memory_space<vmem>> -> memref<8xi32, #tpu.memory_space<vmem>>
      %dma_start3A_13 = tpu.memref_slice %arg4[%mul3A_2] : memref<64xi32, #tpu.memory_space<hbm>> -> memref<8xi32, #tpu.memory_space<hbm>>
      tpu.enqueue_dma source(%dma_start3A_13 : memref<8xi32, #tpu.memory_space<hbm>>) target(%dma_start3A_12 : memref<8xi32, #tpu.memory_space<vmem>>) target_semaphore(%arg11 : memref<!tpu.dma_semaphore, #tpu.memory_space<semaphore_mem>>)
      %dma_wait3A = arith.constant 0 : i32
      %dma_wait3A_14 = tpu.memref_slice %arg6[%dma_wait3A] : memref<16xi32, #tpu.memory_space<vmem>> -> memref<8xi32, #tpu.memory_space<vmem>>
      %dma_wait3A_15 = tpu.memref_slice %arg3[%mul3A_2] : memref<64xi32, #tpu.memory_space<hbm>> -> memref<8xi32, #tpu.memory_space<hbm>>
      %dma_wait3A_16 = arith.constant 0 : i32
      %dma_wait3A_17 = tpu.memref_slice %arg6[%dma_wait3A_16] : memref<16xi32, #tpu.memory_space<vmem>> -> memref<8xi32, #tpu.memory_space<vmem>>
      %dma_wait3A_18 = tpu.memref_slice %arg3[%mul3A_2] : memref<64xi32, #tpu.memory_space<hbm>> -> memref<8xi32, #tpu.memory_space<hbm>>
      tpu.wait_dma2 semaphore(%arg11 : memref<!tpu.dma_semaphore, #tpu.memory_space<semaphore_mem>>) src(%dma_wait3A_18 : memref<8xi32, #tpu.memory_space<hbm>>) dst(%dma_wait3A_17 : memref<8xi32, #tpu.memory_space<vmem>>)
      %dma_wait3A_19 = arith.constant 0 : i32
      %dma_wait3A_20 = tpu.memref_slice %arg7[%dma_wait3A_19] : memref<16xi32, #tpu.memory_space<vmem>> -> memref<8xi32, #tpu.memory_space<vmem>>
      %dma_wait3A_21 = tpu.memref_slice %arg4[%mul3A_2] : memref<64xi32, #tpu.memory_space<hbm>> -> memref<8xi32, #tpu.memory_space<hbm>>
      %dma_wait3A_22 = arith.constant 0 : i32
      %dma_wait3A_23 = tpu.memref_slice %arg7[%dma_wait3A_22] : memref<16xi32, #tpu.memory_space<vmem>> -> memref<8xi32, #tpu.memory_space<vmem>>
      %dma_wait3A_24 = tpu.memref_slice %arg4[%mul3A_2] : memref<64xi32, #tpu.memory_space<hbm>> -> memref<8xi32, #tpu.memory_space<hbm>>
      tpu.wait_dma2 semaphore(%arg11 : memref<!tpu.dma_semaphore, #tpu.memory_space<semaphore_mem>>) src(%dma_wait3A_24 : memref<8xi32, #tpu.memory_space<hbm>>) dst(%dma_wait3A_23 : memref<8xi32, #tpu.memory_space<vmem>>)
      %get3A = arith.constant 0 : index
      %get3A_25 = tpu.vector_load %arg6[%get3A] {strides = array<i32>} : memref<16xi32, #tpu.memory_space<vmem>>, vector<16xi32>,
      %get3A_26 = vector.shape_cast %get3A_25 : vector<16xi32> to vector<16xi32>
      %get3A_27 = arith.constant 0 : index
      %get3A_28 = tpu.vector_load %arg7[%get3A_27] {strides = array<i32>} : memref<16xi32, #tpu.memory_space<vmem>>, vector<16xi32>,
      %get3A_29 = vector.shape_cast %get3A_28 : vector<16xi32> to vector<16xi32>
      %sub3A = arith.constant 1 : i32
      %sub3A_30 = vector.broadcast %sub3A : i32 to vector<16xi32>
      %sub3A_31 = arith.subi %get3A_29, %sub3A_30 : vector<16xi32>
      %max3A = arith.constant 0 : i32
      %max3A_32 = vector.broadcast %max3A : i32 to vector<16xi32>
      %max3A_33 = arith.maxsi %sub3A_31, %max3A_32 : vector<16xi32>
      %slice3A = vector.extract_strided_slice %get3A_26 {offsets = [0], sizes = [1], strides = [1]} : vector<16xi32> to vector<1xi32>
      %squeeze3A = vector.extract %slice3A[0] : i32 from vector<1xi32>
      %slice3A_34 = vector.extract_strided_slice %max3A_33 {offsets = [0], sizes = [1], strides = [1]} : vector<16xi32> to vector<1xi32>
      %squeeze3A_35 = vector.extract %slice3A_34[0] : i32 from vector<1xi32>
      %shift_right_arithmetic3A = arith.constant 3 : i32
      %shift_right_arithmetic3A_36 = arith.shrsi %squeeze3A, %shift_right_arithmetic3A : i32
      %shift_left3A = arith.constant 3 : i32
      %shift_left3A_37 = arith.shli %shift_right_arithmetic3A_36, %shift_left3A : i32
      %multiple_of3A = tpu.assume_multiple %shift_left3A_37, 8 : i32
      %shift_right_arithmetic3A_38 = arith.constant 7 : i32
      %shift_right_arithmetic3A_39 = arith.shrsi %squeeze3A_35, %shift_right_arithmetic3A_38 : i32
      %shift_left3A_40 = arith.constant 7 : i32
      %shift_left3A_41 = arith.shli %shift_right_arithmetic3A_39, %shift_left3A_40 : i32
      %multiple_of3A_42 = tpu.assume_multiple %shift_left3A_41, 128 : i32
      %and3A = arith.constant 7 : i32
      %and3A_43 = arith.andi %squeeze3A, %and3A : i32
      %sub3A_44 = arith.constant 7 : i32
      %sub3A_45 = arith.subi %sub3A_44, %and3A_43 : i32
      %dma_start3A_46 = arith.constant 0 : i32
      %dma_start3A_47 = tpu.memref_slice %arg8[%sub3A_45, %dma_start3A_46] : memref<128x128xi32, #tpu.memory_space<vmem>> -> memref<8x128xi32, #tpu.memory_space<vmem>>
      %dma_start3A_48 = tpu.memref_slice %arg2[%multiple_of3A, %multiple_of3A_42] : memref<1024x8192xi32, #tpu.memory_space<hbm>> -> memref<8x128xi32, #tpu.memory_space<hbm>>
      %dma_start3A_49 = arith.constant 0 : i32
      %dma_start3A_50 = tpu.memref_slice %arg8[%sub3A_45, %dma_start3A_49] : memref<128x128xi32, #tpu.memory_space<vmem>> -> memref<8x128xi32, #tpu.memory_space<vmem>>
      %dma_start3A_51 = tpu.memref_slice %arg2[%multiple_of3A, %multiple_of3A_42] : memref<1024x8192xi32, #tpu.memory_space<hbm>> -> memref<8x128xi32, #tpu.memory_space<hbm>>
      tpu.enqueue_dma source(%dma_start3A_51 : memref<8x128xi32, #tpu.memory_space<hbm>>) target(%dma_start3A_50 : memref<8x128xi32, #tpu.memory_space<vmem>>) target_semaphore(%arg10 : memref<!tpu.dma_semaphore, #tpu.memory_space<semaphore_mem>>)
      %slice3A_52 = vector.extract_strided_slice %get3A_26 {offsets = [1], sizes = [1], strides = [1]} : vector<16xi32> to vector<1xi32>
      %squeeze3A_53 = vector.extract %slice3A_52[0] : i32 from vector<1xi32>
      %slice3A_54 = vector.extract_strided_slice %max3A_33 {offsets = [1], sizes = [1], strides = [1]} : vector<16xi32> to vector<1xi32>
      %squeeze3A_55 = vector.extract %slice3A_54[0] : i32 from vector<1xi32>
      %shift_right_arithmetic3A_56 = arith.constant 3 : i32
      %shift_right_arithmetic3A_57 = arith.shrsi %squeeze3A_53, %shift_right_arithmetic3A_56 : i32
      %shift_left3A_58 = arith.constant 3 : i32
      %shift_left3A_59 = arith.shli %shift_right_arithmetic3A_57, %shift_left3A_58 : i32
      %multiple_of3A_60 = tpu.assume_multiple %shift_left3A_59, 8 : i32
      %shift_right_arithmetic3A_61 = arith.constant 7 : i32
      %shift_right_arithmetic3A_62 = arith.shrsi %squeeze3A_55, %shift_right_arithmetic3A_61 : i32
      %shift_left3A_63 = arith.constant 7 : i32
      %shift_left3A_64 = arith.shli %shift_right_arithmetic3A_62, %shift_left3A_63 : i32
      %multiple_of3A_65 = tpu.assume_multiple %shift_left3A_64, 128 : i32
      %and3A_66 = arith.constant 7 : i32
      %and3A_67 = arith.andi %squeeze3A_53, %and3A_66 : i32
      %sub3A_68 = arith.constant 23 : i32
      %sub3A_69 = arith.subi %sub3A_68, %and3A_67 : i32
      %dma_start3A_70 = arith.constant 0 : i32
      %dma_start3A_71 = tpu.memref_slice %arg8[%sub3A_69, %dma_start3A_70] : memref<128x128xi32, #tpu.memory_space<vmem>> -> memref<8x128xi32, #tpu.memory_space<vmem>>
      %dma_start3A_72 = tpu.memref_slice %arg2[%multiple_of3A_60, %multiple_of3A_65] : memref<1024x8192xi32, #tpu.memory_space<hbm>> -> memref<8x128xi32, #tpu.memory_space<hbm>>
      %dma_start3A_73 = arith.constant 0 : i32
      %dma_start3A_74 = tpu.memref_slice %arg8[%sub3A_69, %dma_start3A_73] : memref<128x128xi32, #tpu.memory_space<vmem>> -> memref<8x128xi32, #tpu.memory_space<vmem>>
      %dma_start3A_75 = tpu.memref_slice %arg2[%multiple_of3A_60, %multiple_of3A_65] : memref<1024x8192xi32, #tpu.memory_space<hbm>> -> memref<8x128xi32, #tpu.memory_space<hbm>>
      tpu.enqueue_dma source(%dma_start3A_75 : memref<8x128xi32, #tpu.memory_space<hbm>>) target(%dma_start3A_74 : memref<8x128xi32, #tpu.memory_space<vmem>>) target_semaphore(%arg10 : memref<!tpu.dma_semaphore, #tpu.memory_space<semaphore_mem>>)
      %slice3A_76 = vector.extract_strided_slice %get3A_26 {offsets = [2], sizes = [1], strides = [1]} : vector<16xi32> to vector<1xi32>
      %squeeze3A_77 = vector.extract %slice3A_76[0] : i32 from vector<1xi32>
      %slice3A_78 = vector.extract_strided_slice %max3A_33 {offsets = [2], sizes = [1], strides = [1]} : vector<16xi32> to vector<1xi32>
      %squeeze3A_79 = vector.extract %slice3A_78[0] : i32 from vector<1xi32>
      %shift_right_arithmetic3A_80 = arith.constant 3 : i32
      %shift_right_arithmetic3A_81 = arith.shrsi %squeeze3A_77, %shift_right_arithmetic3A_80 : i32
      %shift_left3A_82 = arith.constant 3 : i32
      %shift_left3A_83 = arith.shli %shift_right_arithmetic3A_81, %shift_left3A_82 : i32
      %multiple_of3A_84 = tpu.assume_multiple %shift_left3A_83, 8 : i32
      %shift_right_arithmetic3A_85 = arith.constant 7 : i32
      %shift_right_arithmetic3A_86 = arith.shrsi %squeeze3A_79, %shift_right_arithmetic3A_85 : i32
      %shift_left3A_87 = arith.constant 7 : i32
      %shift_left3A_88 = arith.shli %shift_right_arithmetic3A_86, %shift_left3A_87 : i32
      %multiple_of3A_89 = tpu.assume_multiple %shift_left3A_88, 128 : i32
      %and3A_90 = arith.constant 7 : i32
      %and3A_91 = arith.andi %squeeze3A_77, %and3A_90 : i32
      %sub3A_92 = arith.constant 39 : i32
      %sub3A_93 = arith.subi %sub3A_92, %and3A_91 : i32
      %dma_start3A_94 = arith.constant 0 : i32
      %dma_start3A_95 = tpu.memref_slice %arg8[%sub3A_93, %dma_start3A_94] : memref<128x128xi32, #tpu.memory_space<vmem>> -> memref<8x128xi32, #tpu.memory_space<vmem>>
      %dma_start3A_96 = tpu.memref_slice %arg2[%multiple_of3A_84, %multiple_of3A_89] : memref<1024x8192xi32, #tpu.memory_space<hbm>> -> memref<8x128xi32, #tpu.memory_space<hbm>>
      %dma_start3A_97 = arith.constant 0 : i32
      %dma_start3A_98 = tpu.memref_slice %arg8[%sub3A_93, %dma_start3A_97] : memref<128x128xi32, #tpu.memory_space<vmem>> -> memref<8x128xi32, #tpu.memory_space<vmem>>
      %dma_start3A_99 = tpu.memref_slice %arg2[%multiple_of3A_84, %multiple_of3A_89] : memref<1024x8192xi32, #tpu.memory_space<hbm>> -> memref<8x128xi32, #tpu.memory_space<hbm>>
      tpu.enqueue_dma source(%dma_start3A_99 : memref<8x128xi32, #tpu.memory_space<hbm>>) target(%dma_start3A_98 : memref<8x128xi32, #tpu.memory_space<vmem>>) target_semaphore(%arg10 : memref<!tpu.dma_semaphore, #tpu.memory_space<semaphore_mem>>)
      %slice3A_100 = vector.extract_strided_slice %get3A_26 {offsets = [3], sizes = [1], strides = [1]} : vector<16xi32> to vector<1xi32>
      %squeeze3A_101 = vector.extract %slice3A_100[0] : i32 from vector<1xi32>
      %slice3A_102 = vector.extract_strided_slice %max3A_33 {offsets = [3], sizes = [1], strides = [1]} : vector<16xi32> to vector<1xi32>
      %squeeze3A_103 = vector.extract %slice3A_102[0] : i32 from vector<1xi32>
      %shift_right_arithmetic3A_104 = arith.constant 3 : i32
      %shift_right_arithmetic3A_105 = arith.shrsi %squeeze3A_101, %shift_right_arithmetic3A_104 : i32
      %shift_left3A_106 = arith.constant 3 : i32
      %shift_left3A_107 = arith.shli %shift_right_arithmetic3A_105, %shift_left3A_106 : i32
      %multiple_of3A_108 = tpu.assume_multiple %shift_left3A_107, 8 : i32
      %shift_right_arithmetic3A_109 = arith.constant 7 : i32
      %shift_right_arithmetic3A_110 = arith.shrsi %squeeze3A_103, %shift_right_arithmetic3A_109 : i32
      %shift_left3A_111 = arith.constant 7 : i32
      %shift_left3A_112 = arith.shli %shift_right_arithmetic3A_110, %shift_left3A_111 : i32
      %multiple_of3A_113 = tpu.assume_multiple %shift_left3A_112, 128 : i32
      %and3A_114 = arith.constant 7 : i32
      %and3A_115 = arith.andi %squeeze3A_101, %and3A_114 : i32
      %sub3A_116 = arith.constant 55 : i32
      %sub3A_117 = arith.subi %sub3A_116, %and3A_115 : i32
      %dma_start3A_118 = arith.constant 0 : i32
      %dma_start3A_119 = tpu.memref_slice %arg8[%sub3A_117, %dma_start3A_118] : memref<128x128xi32, #tpu.memory_space<vmem>> -> memref<8x128xi32, #tpu.memory_space<vmem>>
      %dma_start3A_120 = tpu.memref_slice %arg2[%multiple_of3A_108, %multiple_of3A_113] : memref<1024x8192xi32, #tpu.memory_space<hbm>> -> memref<8x128xi32, #tpu.memory_space<hbm>>
      %dma_start3A_121 = arith.constant 0 : i32
      %dma_start3A_122 = tpu.memref_slice %arg8[%sub3A_117, %dma_start3A_121] : memref<128x128xi32, #tpu.memory_space<vmem>> -> memref<8x128xi32, #tpu.memory_space<vmem>>
      %dma_start3A_123 = tpu.memref_slice %arg2[%multiple_of3A_108, %multiple_of3A_113] : memref<1024x8192xi32, #tpu.memory_space<hbm>> -> memref<8x128xi32, #tpu.memory_space<hbm>>
      tpu.enqueue_dma source(%dma_start3A_123 : memref<8x128xi32, #tpu.memory_space<hbm>>) target(%dma_start3A_122 : memref<8x128xi32, #tpu.memory_space<vmem>>) target_semaphore(%arg10 : memref<!tpu.dma_semaphore, #tpu.memory_space<semaphore_mem>>)
      %slice3A_124 = vector.extract_strided_slice %get3A_26 {offsets = [4], sizes = [1], strides = [1]} : vector<16xi32> to vector<1xi32>
      %squeeze3A_125 = vector.extract %slice3A_124[0] : i32 from vector<1xi32>
      %slice3A_126 = vector.extract_strided_slice %max3A_33 {offsets = [4], sizes = [1], strides = [1]} : vector<16xi32> to vector<1xi32>
      %squeeze3A_127 = vector.extract %slice3A_126[0] : i32 from vector<1xi32>
      %shift_right_arithmetic3A_128 = arith.constant 3 : i32
      %shift_right_arithmetic3A_129 = arith.shrsi %squeeze3A_125, %shift_right_arithmetic3A_128 : i32
      %shift_left3A_130 = arith.constant 3 : i32
      %shift_left3A_131 = arith.shli %shift_right_arithmetic3A_129, %shift_left3A_130 : i32
      %multiple_of3A_132 = tpu.assume_multiple %shift_left3A_131, 8 : i32
      %shift_right_arithmetic3A_133 = arith.constant 7 : i32
      %shift_right_arithmetic3A_134 = arith.shrsi %squeeze3A_127, %shift_right_arithmetic3A_133 : i32
      %shift_left3A_135 = arith.constant 7 : i32
      %shift_left3A_136 = arith.shli %shift_right_arithmetic3A_134, %shift_left3A_135 : i32
      %multiple_of3A_137 = tpu.assume_multiple %shift_left3A_136, 128 : i32
      %and3A_138 = arith.constant 7 : i32
      %and3A_139 = arith.andi %squeeze3A_125, %and3A_138 : i32
      %sub3A_140 = arith.constant 71 : i32
      %sub3A_141 = arith.subi %sub3A_140, %and3A_139 : i32
      %dma_start3A_142 = arith.constant 0 : i32
      %dma_start3A_143 = tpu.memref_slice %arg8[%sub3A_141, %dma_start3A_142] : memref<128x128xi32, #tpu.memory_space<vmem>> -> memref<8x128xi32, #tpu.memory_space<vmem>>
      %dma_start3A_144 = tpu.memref_slice %arg2[%multiple_of3A_132, %multiple_of3A_137] : memref<1024x8192xi32, #tpu.memory_space<hbm>> -> memref<8x128xi32, #tpu.memory_space<hbm>>
      %dma_start3A_145 = arith.constant 0 : i32
      %dma_start3A_146 = tpu.memref_slice %arg8[%sub3A_141, %dma_start3A_145] : memref<128x128xi32, #tpu.memory_space<vmem>> -> memref<8x128xi32, #tpu.memory_space<vmem>>
      %dma_start3A_147 = tpu.memref_slice %arg2[%multiple_of3A_132, %multiple_of3A_137] : memref<1024x8192xi32, #tpu.memory_space<hbm>> -> memref<8x128xi32, #tpu.memory_space<hbm>>
      tpu.enqueue_dma source(%dma_start3A_147 : memref<8x128xi32, #tpu.memory_space<hbm>>) target(%dma_start3A_146 : memref<8x128xi32, #tpu.memory_space<vmem>>) target_semaphore(%arg11 : memref<!tpu.dma_semaphore, #tpu.memory_space<semaphore_mem>>)
      %slice3A_148 = vector.extract_strided_slice %get3A_26 {offsets = [5], sizes = [1], strides = [1]} : vector<16xi32> to vector<1xi32>
      %squeeze3A_149 = vector.extract %slice3A_148[0] : i32 from vector<1xi32>
      %slice3A_150 = vector.extract_strided_slice %max3A_33 {offsets = [5], sizes = [1], strides = [1]} : vector<16xi32> to vector<1xi32>
      %squeeze3A_151 = vector.extract %slice3A_150[0] : i32 from vector<1xi32>
      %shift_right_arithmetic3A_152 = arith.constant 3 : i32
      %shift_right_arithmetic3A_153 = arith.shrsi %squeeze3A_149, %shift_right_arithmetic3A_152 : i32
      %shift_left3A_154 = arith.constant 3 : i32
      %shift_left3A_155 = arith.shli %shift_right_arithmetic3A_153, %shift_left3A_154 : i32
      %multiple_of3A_156 = tpu.assume_multiple %shift_left3A_155, 8 : i32
      %shift_right_arithmetic3A_157 = arith.constant 7 : i32
      %shift_right_arithmetic3A_158 = arith.shrsi %squeeze3A_151, %shift_right_arithmetic3A_157 : i32
      %shift_left3A_159 = arith.constant 7 : i32
      %shift_left3A_160 = arith.shli %shift_right_arithmetic3A_158, %shift_left3A_159 : i32
      %multiple_of3A_161 = tpu.assume_multiple %shift_left3A_160, 128 : i32
      %and3A_162 = arith.constant 7 : i32
      %and3A_163 = arith.andi %squeeze3A_149, %and3A_162 : i32
      %sub3A_164 = arith.constant 87 : i32
      %sub3A_165 = arith.subi %sub3A_164, %and3A_163 : i32
      %dma_start3A_166 = arith.constant 0 : i32
      %dma_start3A_167 = tpu.memref_slice %arg8[%sub3A_165, %dma_start3A_166] : memref<128x128xi32, #tpu.memory_space<vmem>> -> memref<8x128xi32, #tpu.memory_space<vmem>>
      %dma_start3A_168 = tpu.memref_slice %arg2[%multiple_of3A_156, %multiple_of3A_161] : memref<1024x8192xi32, #tpu.memory_space<hbm>> -> memref<8x128xi32, #tpu.memory_space<hbm>>
      %dma_start3A_169 = arith.constant 0 : i32
      %dma_start3A_170 = tpu.memref_slice %arg8[%sub3A_165, %dma_start3A_169] : memref<128x128xi32, #tpu.memory_space<vmem>> -> memref<8x128xi32, #tpu.memory_space<vmem>>
      %dma_start3A_171 = tpu.memref_slice %arg2[%multiple_of3A_156, %multiple_of3A_161] : memref<1024x8192xi32, #tpu.memory_space<hbm>> -> memref<8x128xi32, #tpu.memory_space<hbm>>
      tpu.enqueue_dma source(%dma_start3A_171 : memref<8x128xi32, #tpu.memory_space<hbm>>) target(%dma_start3A_170 : memref<8x128xi32, #tpu.memory_space<vmem>>) target_semaphore(%arg11 : memref<!tpu.dma_semaphore, #tpu.memory_space<semaphore_mem>>)
      %slice3A_172 = vector.extract_strided_slice %get3A_26 {offsets = [6], sizes = [1], strides = [1]} : vector<16xi32> to vector<1xi32>
      %squeeze3A_173 = vector.extract %slice3A_172[0] : i32 from vector<1xi32>
      %slice3A_174 = vector.extract_strided_slice %max3A_33 {offsets = [6], sizes = [1], strides = [1]} : vector<16xi32> to vector<1xi32>
      %squeeze3A_175 = vector.extract %slice3A_174[0] : i32 from vector<1xi32>
      %shift_right_arithmetic3A_176 = arith.constant 3 : i32
      %shift_right_arithmetic3A_177 = arith.shrsi %squeeze3A_173, %shift_right_arithmetic3A_176 : i32
      %shift_left3A_178 = arith.constant 3 : i32
      %shift_left3A_179 = arith.shli %shift_right_arithmetic3A_177, %shift_left3A_178 : i32
      %multiple_of3A_180 = tpu.assume_multiple %shift_left3A_179, 8 : i32
      %shift_right_arithmetic3A_181 = arith.constant 7 : i32
      %shift_right_arithmetic3A_182 = arith.shrsi %squeeze3A_175, %shift_right_arithmetic3A_181 : i32
      %shift_left3A_183 = arith.constant 7 : i32
      %shift_left3A_184 = arith.shli %shift_right_arithmetic3A_182, %shift_left3A_183 : i32
      %multiple_of3A_185 = tpu.assume_multiple %shift_left3A_184, 128 : i32
      %and3A_186 = arith.constant 7 : i32
      %and3A_187 = arith.andi %squeeze3A_173, %and3A_186 : i32
      %sub3A_188 = arith.constant 103 : i32
      %sub3A_189 = arith.subi %sub3A_188, %and3A_187 : i32
      %dma_start3A_190 = arith.constant 0 : i32
      %dma_start3A_191 = tpu.memref_slice %arg8[%sub3A_189, %dma_start3A_190] : memref<128x128xi32, #tpu.memory_space<vmem>> -> memref<8x128xi32, #tpu.memory_space<vmem>>
      %dma_start3A_192 = tpu.memref_slice %arg2[%multiple_of3A_180, %multiple_of3A_185] : memref<1024x8192xi32, #tpu.memory_space<hbm>> -> memref<8x128xi32, #tpu.memory_space<hbm>>
      %dma_start3A_193 = arith.constant 0 : i32
      %dma_start3A_194 = tpu.memref_slice %arg8[%sub3A_189, %dma_start3A_193] : memref<128x128xi32, #tpu.memory_space<vmem>> -> memref<8x128xi32, #tpu.memory_space<vmem>>
      %dma_start3A_195 = tpu.memref_slice %arg2[%multiple_of3A_180, %multiple_of3A_185] : memref<1024x8192xi32, #tpu.memory_space<hbm>> -> memref<8x128xi32, #tpu.memory_space<hbm>>
      tpu.enqueue_dma source(%dma_start3A_195 : memref<8x128xi32, #tpu.memory_space<hbm>>) target(%dma_start3A_194 : memref<8x128xi32, #tpu.memory_space<vmem>>) target_semaphore(%arg11 : memref<!tpu.dma_semaphore, #tpu.memory_space<semaphore_mem>>)
      %slice3A_196 = vector.extract_strided_slice %get3A_26 {offsets = [7], sizes = [1], strides = [1]} : vector<16xi32> to vector<1xi32>
      %squeeze3A_197 = vector.extract %slice3A_196[0] : i32 from vector<1xi32>
      %slice3A_198 = vector.extract_strided_slice %max3A_33 {offsets = [7], sizes = [1], strides = [1]} : vector<16xi32> to vector<1xi32>
      %squeeze3A_199 = vector.extract %slice3A_198[0] : i32 from vector<1xi32>
      %shift_right_arithmetic3A_200 = arith.constant 3 : i32
      %shift_right_arithmetic3A_201 = arith.shrsi %squeeze3A_197, %shift_right_arithmetic3A_200 : i32
      %shift_left3A_202 = arith.constant 3 : i32
      %shift_left3A_203 = arith.shli %shift_right_arithmetic3A_201, %shift_left3A_202 : i32
      %multiple_of3A_204 = tpu.assume_multiple %shift_left3A_203, 8 : i32
      %shift_right_arithmetic3A_205 = arith.constant 7 : i32
      %shift_right_arithmetic3A_206 = arith.shrsi %squeeze3A_199, %shift_right_arithmetic3A_205 : i32
      %shift_left3A_207 = arith.constant 7 : i32
      %shift_left3A_208 = arith.shli %shift_right_arithmetic3A_206, %shift_left3A_207 : i32
      %multiple_of3A_209 = tpu.assume_multiple %shift_left3A_208, 128 : i32
      %and3A_210 = arith.constant 7 : i32
      %and3A_211 = arith.andi %squeeze3A_197, %and3A_210 : i32
      %sub3A_212 = arith.constant 119 : i32
      %sub3A_213 = arith.subi %sub3A_212, %and3A_211 : i32
      %dma_start3A_214 = arith.constant 0 : i32
      %dma_start3A_215 = tpu.memref_slice %arg8[%sub3A_213, %dma_start3A_214] : memref<128x128xi32, #tpu.memory_space<vmem>> -> memref<8x128xi32, #tpu.memory_space<vmem>>
      %dma_start3A_216 = tpu.memref_slice %arg2[%multiple_of3A_204, %multiple_of3A_209] : memref<1024x8192xi32, #tpu.memory_space<hbm>> -> memref<8x128xi32, #tpu.memory_space<hbm>>
      %dma_start3A_217 = arith.constant 0 : i32
      %dma_start3A_218 = tpu.memref_slice %arg8[%sub3A_213, %dma_start3A_217] : memref<128x128xi32, #tpu.memory_space<vmem>> -> memref<8x128xi32, #tpu.memory_space<vmem>>
      %dma_start3A_219 = tpu.memref_slice %arg2[%multiple_of3A_204, %multiple_of3A_209] : memref<1024x8192xi32, #tpu.memory_space<hbm>> -> memref<8x128xi32, #tpu.memory_space<hbm>>
      tpu.enqueue_dma source(%dma_start3A_219 : memref<8x128xi32, #tpu.memory_space<hbm>>) target(%dma_start3A_218 : memref<8x128xi32, #tpu.memory_space<vmem>>) target_semaphore(%arg11 : memref<!tpu.dma_semaphore, #tpu.memory_space<semaphore_mem>>)
      %iota3A = tpu.iota {dimensions = array<i32: 0>} : vector<16xi32>
      %broadcast_in_dim3A = arith.constant -1 : i32
      %broadcast_in_dim3A_220 = vector.broadcast %broadcast_in_dim3A : i32 to vector<16xi32>
      %dma_wait3A_221 = arith.constant 0 : i32
      %dma_wait3A_222 = tpu.memref_slice %arg8[%sub3A_45, %dma_wait3A_221] : memref<128x128xi32, #tpu.memory_space<vmem>> -> memref<8x128xi32, #tpu.memory_space<vmem>>
      %dma_wait3A_223 = tpu.memref_slice %arg2[%multiple_of3A, %multiple_of3A_42] : memref<1024x8192xi32, #tpu.memory_space<hbm>> -> memref<8x128xi32, #tpu.memory_space<hbm>>
      %dma_wait3A_224 = arith.constant 0 : i32
      %dma_wait3A_225 = tpu.memref_slice %arg8[%sub3A_45, %dma_wait3A_224] : memref<128x128xi32, #tpu.memory_space<vmem>> -> memref<8x128xi32, #tpu.memory_space<vmem>>
      %dma_wait3A_226 = tpu.memref_slice %arg2[%multiple_of3A, %multiple_of3A_42] : memref<1024x8192xi32, #tpu.memory_space<hbm>> -> memref<8x128xi32, #tpu.memory_space<hbm>>
      tpu.wait_dma2 semaphore(%arg10 : memref<!tpu.dma_semaphore, #tpu.memory_space<semaphore_mem>>) src(%dma_wait3A_226 : memref<8x128xi32, #tpu.memory_space<hbm>>) dst(%dma_wait3A_225 : memref<8x128xi32, #tpu.memory_space<vmem>>)
      %dma_wait3A_227 = arith.constant 0 : i32
      %dma_wait3A_228 = tpu.memref_slice %arg8[%sub3A_69, %dma_wait3A_227] : memref<128x128xi32, #tpu.memory_space<vmem>> -> memref<8x128xi32, #tpu.memory_space<vmem>>
      %dma_wait3A_229 = tpu.memref_slice %arg2[%multiple_of3A_60, %multiple_of3A_65] : memref<1024x8192xi32, #tpu.memory_space<hbm>> -> memref<8x128xi32, #tpu.memory_space<hbm>>
      %dma_wait3A_230 = arith.constant 0 : i32
      %dma_wait3A_231 = tpu.memref_slice %arg8[%sub3A_69, %dma_wait3A_230] : memref<128x128xi32, #tpu.memory_space<vmem>> -> memref<8x128xi32, #tpu.memory_space<vmem>>
      %dma_wait3A_232 = tpu.memref_slice %arg2[%multiple_of3A_60, %multiple_of3A_65] : memref<1024x8192xi32, #tpu.memory_space<hbm>> -> memref<8x128xi32, #tpu.memory_space<hbm>>
      tpu.wait_dma2 semaphore(%arg10 : memref<!tpu.dma_semaphore, #tpu.memory_space<semaphore_mem>>) src(%dma_wait3A_232 : memref<8x128xi32, #tpu.memory_space<hbm>>) dst(%dma_wait3A_231 : memref<8x128xi32, #tpu.memory_space<vmem>>)
      %dma_wait3A_233 = arith.constant 0 : i32
      %dma_wait3A_234 = tpu.memref_slice %arg8[%sub3A_93, %dma_wait3A_233] : memref<128x128xi32, #tpu.memory_space<vmem>> -> memref<8x128xi32, #tpu.memory_space<vmem>>
      %dma_wait3A_235 = tpu.memref_slice %arg2[%multiple_of3A_84, %multiple_of3A_89] : memref<1024x8192xi32, #tpu.memory_space<hbm>> -> memref<8x128xi32, #tpu.memory_space<hbm>>
      %dma_wait3A_236 = arith.constant 0 : i32
      %dma_wait3A_237 = tpu.memref_slice %arg8[%sub3A_93, %dma_wait3A_236] : memref<128x128xi32, #tpu.memory_space<vmem>> -> memref<8x128xi32, #tpu.memory_space<vmem>>
      %dma_wait3A_238 = tpu.memref_slice %arg2[%multiple_of3A_84, %multiple_of3A_89] : memref<1024x8192xi32, #tpu.memory_space<hbm>> -> memref<8x128xi32, #tpu.memory_space<hbm>>
      tpu.wait_dma2 semaphore(%arg10 : memref<!tpu.dma_semaphore, #tpu.memory_space<semaphore_mem>>) src(%dma_wait3A_238 : memref<8x128xi32, #tpu.memory_space<hbm>>) dst(%dma_wait3A_237 : memref<8x128xi32, #tpu.memory_space<vmem>>)
      %dma_wait3A_239 = arith.constant 0 : i32
      %dma_wait3A_240 = tpu.memref_slice %arg8[%sub3A_117, %dma_wait3A_239] : memref<128x128xi32, #tpu.memory_space<vmem>> -> memref<8x128xi32, #tpu.memory_space<vmem>>
      %dma_wait3A_241 = tpu.memref_slice %arg2[%multiple_of3A_108, %multiple_of3A_113] : memref<1024x8192xi32, #tpu.memory_space<hbm>> -> memref<8x128xi32, #tpu.memory_space<hbm>>
      %dma_wait3A_242 = arith.constant 0 : i32
      %dma_wait3A_243 = tpu.memref_slice %arg8[%sub3A_117, %dma_wait3A_242] : memref<128x128xi32, #tpu.memory_space<vmem>> -> memref<8x128xi32, #tpu.memory_space<vmem>>
      %dma_wait3A_244 = tpu.memref_slice %arg2[%multiple_of3A_108, %multiple_of3A_113] : memref<1024x8192xi32, #tpu.memory_space<hbm>> -> memref<8x128xi32, #tpu.memory_space<hbm>>
      tpu.wait_dma2 semaphore(%arg10 : memref<!tpu.dma_semaphore, #tpu.memory_space<semaphore_mem>>) src(%dma_wait3A_244 : memref<8x128xi32, #tpu.memory_space<hbm>>) dst(%dma_wait3A_243 : memref<8x128xi32, #tpu.memory_space<vmem>>)
      %slice3A_245 = vector.extract_strided_slice %max3A_33 {offsets = [0], sizes = [1], strides = [1]} : vector<16xi32> to vector<1xi32>
      %squeeze3A_246 = vector.extract %slice3A_245[0] : i32 from vector<1xi32>
      %and3A_247 = arith.constant 127 : i32
      %and3A_248 = arith.andi %squeeze3A_246, %and3A_247 : i32
      %shift_right_arithmetic3A_249 = arith.constant 4 : i32
      %shift_right_arithmetic3A_250 = arith.shrsi %and3A_248, %shift_right_arithmetic3A_249 : i32
      %shift_left3A_251 = arith.constant 4 : i32
      %shift_left3A_252 = arith.shli %shift_right_arithmetic3A_250, %shift_left3A_251 : i32
      %multiple_of3A_253 = tpu.assume_multiple %shift_left3A_252, 16 : i32
      %get3A_254 = arith.constant 7 : i32
      %get3A_255 = arith.index_cast %get3A_254 : i32 to index
      %get3A_256 = arith.index_cast %multiple_of3A_253 : i32 to index
      %get3A_257 = tpu.vector_load %arg8[%get3A_255, %get3A_256] {strides = array<i32>} : memref<128x128xi32, #tpu.memory_space<vmem>>, vector<1x16xi32>,
      %get3A_258 = vector.shape_cast %get3A_257 : vector<1x16xi32> to vector<16xi32>
      %and3A_259 = arith.constant 15 : i32
      %and3A_260 = arith.andi %squeeze3A_246, %and3A_259 : i32
      %broadcast_in_dim3A_261 = vector.broadcast %and3A_260 : i32 to vector<16x1xi32>
      %gather3A = vector.shape_cast %broadcast_in_dim3A_261 : vector<16x1xi32> to vector<16xi32>
      %gather3A_262 = tpu.dynamic_gather %get3A_258[%gather3A] in [0] : vector<16xi32>, vector<16xi32> -> vector<16xi32>
      %eq3A = arith.constant 0 : i32
      %eq3A_263 = vector.broadcast %eq3A : i32 to vector<16xi32>
      %eq3A_264 = arith.cmpi eq, %iota3A, %eq3A_263 : vector<16xi32>
      %select_n3A = arith.select %eq3A_264, %gather3A_262, %broadcast_in_dim3A_220 : vector<16xi1>, vector<16xi32>
      %slice3A_265 = vector.extract_strided_slice %max3A_33 {offsets = [1], sizes = [1], strides = [1]} : vector<16xi32> to vector<1xi32>
      %squeeze3A_266 = vector.extract %slice3A_265[0] : i32 from vector<1xi32>
      %and3A_267 = arith.constant 127 : i32
      %and3A_268 = arith.andi %squeeze3A_266, %and3A_267 : i32
      %shift_right_arithmetic3A_269 = arith.constant 4 : i32
      %shift_right_arithmetic3A_270 = arith.shrsi %and3A_268, %shift_right_arithmetic3A_269 : i32
      %shift_left3A_271 = arith.constant 4 : i32
      %shift_left3A_272 = arith.shli %shift_right_arithmetic3A_270, %shift_left3A_271 : i32
      %multiple_of3A_273 = tpu.assume_multiple %shift_left3A_272, 16 : i32
      %get3A_274 = arith.constant 23 : i32
      %get3A_275 = arith.index_cast %get3A_274 : i32 to index
      %get3A_276 = arith.index_cast %multiple_of3A_273 : i32 to index
      %get3A_277 = tpu.vector_load %arg8[%get3A_275, %get3A_276] {strides = array<i32>} : memref<128x128xi32, #tpu.memory_space<vmem>>, vector<1x16xi32>,
      %get3A_278 = vector.shape_cast %get3A_277 : vector<1x16xi32> to vector<16xi32>
      %and3A_279 = arith.constant 15 : i32
      %and3A_280 = arith.andi %squeeze3A_266, %and3A_279 : i32
      %broadcast_in_dim3A_281 = vector.broadcast %and3A_280 : i32 to vector<16x1xi32>
      %gather3A_282 = vector.shape_cast %broadcast_in_dim3A_281 : vector<16x1xi32> to vector<16xi32>
      %gather3A_283 = tpu.dynamic_gather %get3A_278[%gather3A_282] in [0] : vector<16xi32>, vector<16xi32> -> vector<16xi32>
      %eq3A_284 = arith.constant 1 : i32
      %eq3A_285 = vector.broadcast %eq3A_284 : i32 to vector<16xi32>
      %eq3A_286 = arith.cmpi eq, %iota3A, %eq3A_285 : vector<16xi32>
      %select_n3A_287 = arith.select %eq3A_286, %gather3A_283, %select_n3A : vector<16xi1>, vector<16xi32>
      %slice3A_288 = vector.extract_strided_slice %max3A_33 {offsets = [2], sizes = [1], strides = [1]} : vector<16xi32> to vector<1xi32>
      %squeeze3A_289 = vector.extract %slice3A_288[0] : i32 from vector<1xi32>
      %and3A_290 = arith.constant 127 : i32
      %and3A_291 = arith.andi %squeeze3A_289, %and3A_290 : i32
      %shift_right_arithmetic3A_292 = arith.constant 4 : i32
      %shift_right_arithmetic3A_293 = arith.shrsi %and3A_291, %shift_right_arithmetic3A_292 : i32
      %shift_left3A_294 = arith.constant 4 : i32
      %shift_left3A_295 = arith.shli %shift_right_arithmetic3A_293, %shift_left3A_294 : i32
      %multiple_of3A_296 = tpu.assume_multiple %shift_left3A_295, 16 : i32
      %get3A_297 = arith.constant 39 : i32
      %get3A_298 = arith.index_cast %get3A_297 : i32 to index
      %get3A_299 = arith.index_cast %multiple_of3A_296 : i32 to index
      %get3A_300 = tpu.vector_load %arg8[%get3A_298, %get3A_299] {strides = array<i32>} : memref<128x128xi32, #tpu.memory_space<vmem>>, vector<1x16xi32>,
      %get3A_301 = vector.shape_cast %get3A_300 : vector<1x16xi32> to vector<16xi32>
      %and3A_302 = arith.constant 15 : i32
      %and3A_303 = arith.andi %squeeze3A_289, %and3A_302 : i32
      %broadcast_in_dim3A_304 = vector.broadcast %and3A_303 : i32 to vector<16x1xi32>
      %gather3A_305 = vector.shape_cast %broadcast_in_dim3A_304 : vector<16x1xi32> to vector<16xi32>
      %gather3A_306 = tpu.dynamic_gather %get3A_301[%gather3A_305] in [0] : vector<16xi32>, vector<16xi32> -> vector<16xi32>
      %eq3A_307 = arith.constant 2 : i32
      %eq3A_308 = vector.broadcast %eq3A_307 : i32 to vector<16xi32>
      %eq3A_309 = arith.cmpi eq, %iota3A, %eq3A_308 : vector<16xi32>
      %select_n3A_310 = arith.select %eq3A_309, %gather3A_306, %select_n3A_287 : vector<16xi1>, vector<16xi32>
      %slice3A_311 = vector.extract_strided_slice %max3A_33 {offsets = [3], sizes = [1], strides = [1]} : vector<16xi32> to vector<1xi32>
      %squeeze3A_312 = vector.extract %slice3A_311[0] : i32 from vector<1xi32>
      %and3A_313 = arith.constant 127 : i32
      %and3A_314 = arith.andi %squeeze3A_312, %and3A_313 : i32
      %shift_right_arithmetic3A_315 = arith.constant 4 : i32
      %shift_right_arithmetic3A_316 = arith.shrsi %and3A_314, %shift_right_arithmetic3A_315 : i32
      %shift_left3A_317 = arith.constant 4 : i32
      %shift_left3A_318 = arith.shli %shift_right_arithmetic3A_316, %shift_left3A_317 : i32
      %multiple_of3A_319 = tpu.assume_multiple %shift_left3A_318, 16 : i32
      %get3A_320 = arith.constant 55 : i32
      %get3A_321 = arith.index_cast %get3A_320 : i32 to index
      %get3A_322 = arith.index_cast %multiple_of3A_319 : i32 to index
      %get3A_323 = tpu.vector_load %arg8[%get3A_321, %get3A_322] {strides = array<i32>} : memref<128x128xi32, #tpu.memory_space<vmem>>, vector<1x16xi32>,
      %get3A_324 = vector.shape_cast %get3A_323 : vector<1x16xi32> to vector<16xi32>
      %and3A_325 = arith.constant 15 : i32
      %and3A_326 = arith.andi %squeeze3A_312, %and3A_325 : i32
      %broadcast_in_dim3A_327 = vector.broadcast %and3A_326 : i32 to vector<16x1xi32>
      %gather3A_328 = vector.shape_cast %broadcast_in_dim3A_327 : vector<16x1xi32> to vector<16xi32>
      %gather3A_329 = tpu.dynamic_gather %get3A_324[%gather3A_328] in [0] : vector<16xi32>, vector<16xi32> -> vector<16xi32>
      %eq3A_330 = arith.constant 3 : i32
      %eq3A_331 = vector.broadcast %eq3A_330 : i32 to vector<16xi32>
      %eq3A_332 = arith.cmpi eq, %iota3A, %eq3A_331 : vector<16xi32>
      %select_n3A_333 = arith.select %eq3A_332, %gather3A_329, %select_n3A_310 : vector<16xi1>, vector<16xi32>
      %dma_wait3A_334 = arith.constant 0 : i32
      %dma_wait3A_335 = tpu.memref_slice %arg8[%sub3A_141, %dma_wait3A_334] : memref<128x128xi32, #tpu.memory_space<vmem>> -> memref<8x128xi32, #tpu.memory_space<vmem>>
      %dma_wait3A_336 = tpu.memref_slice %arg2[%multiple_of3A_132, %multiple_of3A_137] : memref<1024x8192xi32, #tpu.memory_space<hbm>> -> memref<8x128xi32, #tpu.memory_space<hbm>>
      %dma_wait3A_337 = arith.constant 0 : i32
      %dma_wait3A_338 = tpu.memref_slice %arg8[%sub3A_141, %dma_wait3A_337] : memref<128x128xi32, #tpu.memory_space<vmem>> -> memref<8x128xi32, #tpu.memory_space<vmem>>
      %dma_wait3A_339 = tpu.memref_slice %arg2[%multiple_of3A_132, %multiple_of3A_137] : memref<1024x8192xi32, #tpu.memory_space<hbm>> -> memref<8x128xi32, #tpu.memory_space<hbm>>
      tpu.wait_dma2 semaphore(%arg11 : memref<!tpu.dma_semaphore, #tpu.memory_space<semaphore_mem>>) src(%dma_wait3A_339 : memref<8x128xi32, #tpu.memory_space<hbm>>) dst(%dma_wait3A_338 : memref<8x128xi32, #tpu.memory_space<vmem>>)
      %dma_wait3A_340 = arith.constant 0 : i32
      %dma_wait3A_341 = tpu.memref_slice %arg8[%sub3A_165, %dma_wait3A_340] : memref<128x128xi32, #tpu.memory_space<vmem>> -> memref<8x128xi32, #tpu.memory_space<vmem>>
      %dma_wait3A_342 = tpu.memref_slice %arg2[%multiple_of3A_156, %multiple_of3A_161] : memref<1024x8192xi32, #tpu.memory_space<hbm>> -> memref<8x128xi32, #tpu.memory_space<hbm>>
      %dma_wait3A_343 = arith.constant 0 : i32
      %dma_wait3A_344 = tpu.memref_slice %arg8[%sub3A_165, %dma_wait3A_343] : memref<128x128xi32, #tpu.memory_space<vmem>> -> memref<8x128xi32, #tpu.memory_space<vmem>>
      %dma_wait3A_345 = tpu.memref_slice %arg2[%multiple_of3A_156, %multiple_of3A_161] : memref<1024x8192xi32, #tpu.memory_space<hbm>> -> memref<8x128xi32, #tpu.memory_space<hbm>>
      tpu.wait_dma2 semaphore(%arg11 : memref<!tpu.dma_semaphore, #tpu.memory_space<semaphore_mem>>) src(%dma_wait3A_345 : memref<8x128xi32, #tpu.memory_space<hbm>>) dst(%dma_wait3A_344 : memref<8x128xi32, #tpu.memory_space<vmem>>)
      %dma_wait3A_346 = arith.constant 0 : i32
      %dma_wait3A_347 = tpu.memref_slice %arg8[%sub3A_189, %dma_wait3A_346] : memref<128x128xi32, #tpu.memory_space<vmem>> -> memref<8x128xi32, #tpu.memory_space<vmem>>
      %dma_wait3A_348 = tpu.memref_slice %arg2[%multiple_of3A_180, %multiple_of3A_185] : memref<1024x8192xi32, #tpu.memory_space<hbm>> -> memref<8x128xi32, #tpu.memory_space<hbm>>
      %dma_wait3A_349 = arith.constant 0 : i32
      %dma_wait3A_350 = tpu.memref_slice %arg8[%sub3A_189, %dma_wait3A_349] : memref<128x128xi32, #tpu.memory_space<vmem>> -> memref<8x128xi32, #tpu.memory_space<vmem>>
      %dma_wait3A_351 = tpu.memref_slice %arg2[%multiple_of3A_180, %multiple_of3A_185] : memref<1024x8192xi32, #tpu.memory_space<hbm>> -> memref<8x128xi32, #tpu.memory_space<hbm>>
      tpu.wait_dma2 semaphore(%arg11 : memref<!tpu.dma_semaphore, #tpu.memory_space<semaphore_mem>>) src(%dma_wait3A_351 : memref<8x128xi32, #tpu.memory_space<hbm>>) dst(%dma_wait3A_350 : memref<8x128xi32, #tpu.memory_space<vmem>>)
      %dma_wait3A_352 = arith.constant 0 : i32
      %dma_wait3A_353 = tpu.memref_slice %arg8[%sub3A_213, %dma_wait3A_352] : memref<128x128xi32, #tpu.memory_space<vmem>> -> memref<8x128xi32, #tpu.memory_space<vmem>>
      %dma_wait3A_354 = tpu.memref_slice %arg2[%multiple_of3A_204, %multiple_of3A_209] : memref<1024x8192xi32, #tpu.memory_space<hbm>> -> memref<8x128xi32, #tpu.memory_space<hbm>>
      %dma_wait3A_355 = arith.constant 0 : i32
      %dma_wait3A_356 = tpu.memref_slice %arg8[%sub3A_213, %dma_wait3A_355] : memref<128x128xi32, #tpu.memory_space<vmem>> -> memref<8x128xi32, #tpu.memory_space<vmem>>
      %dma_wait3A_357 = tpu.memref_slice %arg2[%multiple_of3A_204, %multiple_of3A_209] : memref<1024x8192xi32, #tpu.memory_space<hbm>> -> memref<8x128xi32, #tpu.memory_space<hbm>>
      tpu.wait_dma2 semaphore(%arg11 : memref<!tpu.dma_semaphore, #tpu.memory_space<semaphore_mem>>) src(%dma_wait3A_357 : memref<8x128xi32, #tpu.memory_space<hbm>>) dst(%dma_wait3A_356 : memref<8x128xi32, #tpu.memory_space<vmem>>)
      %slice3A_358 = vector.extract_strided_slice %max3A_33 {offsets = [4], sizes = [1], strides = [1]} : vector<16xi32> to vector<1xi32>
      %squeeze3A_359 = vector.extract %slice3A_358[0] : i32 from vector<1xi32>
      %and3A_360 = arith.constant 127 : i32
      %and3A_361 = arith.andi %squeeze3A_359, %and3A_360 : i32
      %shift_right_arithmetic3A_362 = arith.constant 4 : i32
      %shift_right_arithmetic3A_363 = arith.shrsi %and3A_361, %shift_right_arithmetic3A_362 : i32
      %shift_left3A_364 = arith.constant 4 : i32
      %shift_left3A_365 = arith.shli %shift_right_arithmetic3A_363, %shift_left3A_364 : i32
      %multiple_of3A_366 = tpu.assume_multiple %shift_left3A_365, 16 : i32
      %get3A_367 = arith.constant 71 : i32
      %get3A_368 = arith.index_cast %get3A_367 : i32 to index
      %get3A_369 = arith.index_cast %multiple_of3A_366 : i32 to index
      %get3A_370 = tpu.vector_load %arg8[%get3A_368, %get3A_369] {strides = array<i32>} : memref<128x128xi32, #tpu.memory_space<vmem>>, vector<1x16xi32>,
      %get3A_371 = vector.shape_cast %get3A_370 : vector<1x16xi32> to vector<16xi32>
      %and3A_372 = arith.constant 15 : i32
      %and3A_373 = arith.andi %squeeze3A_359, %and3A_372 : i32
      %broadcast_in_dim3A_374 = vector.broadcast %and3A_373 : i32 to vector<16x1xi32>
      %gather3A_375 = vector.shape_cast %broadcast_in_dim3A_374 : vector<16x1xi32> to vector<16xi32>
      %gather3A_376 = tpu.dynamic_gather %get3A_371[%gather3A_375] in [0] : vector<16xi32>, vector<16xi32> -> vector<16xi32>
      %eq3A_377 = arith.constant 4 : i32
      %eq3A_378 = vector.broadcast %eq3A_377 : i32 to vector<16xi32>
      %eq3A_379 = arith.cmpi eq, %iota3A, %eq3A_378 : vector<16xi32>
      %select_n3A_380 = arith.select %eq3A_379, %gather3A_376, %select_n3A_333 : vector<16xi1>, vector<16xi32>
      %slice3A_381 = vector.extract_strided_slice %max3A_33 {offsets = [5], sizes = [1], strides = [1]} : vector<16xi32> to vector<1xi32>
      %squeeze3A_382 = vector.extract %slice3A_381[0] : i32 from vector<1xi32>
      %and3A_383 = arith.constant 127 : i32
      %and3A_384 = arith.andi %squeeze3A_382, %and3A_383 : i32
      %shift_right_arithmetic3A_385 = arith.constant 4 : i32
      %shift_right_arithmetic3A_386 = arith.shrsi %and3A_384, %shift_right_arithmetic3A_385 : i32
      %shift_left3A_387 = arith.constant 4 : i32
      %shift_left3A_388 = arith.shli %shift_right_arithmetic3A_386, %shift_left3A_387 : i32
      %multiple_of3A_389 = tpu.assume_multiple %shift_left3A_388, 16 : i32
      %get3A_390 = arith.constant 87 : i32
      %get3A_391 = arith.index_cast %get3A_390 : i32 to index
      %get3A_392 = arith.index_cast %multiple_of3A_389 : i32 to index
      %get3A_393 = tpu.vector_load %arg8[%get3A_391, %get3A_392] {strides = array<i32>} : memref<128x128xi32, #tpu.memory_space<vmem>>, vector<1x16xi32>,
      %get3A_394 = vector.shape_cast %get3A_393 : vector<1x16xi32> to vector<16xi32>
      %and3A_395 = arith.constant 15 : i32
      %and3A_396 = arith.andi %squeeze3A_382, %and3A_395 : i32
      %broadcast_in_dim3A_397 = vector.broadcast %and3A_396 : i32 to vector<16x1xi32>
      %gather3A_398 = vector.shape_cast %broadcast_in_dim3A_397 : vector<16x1xi32> to vector<16xi32>
      %gather3A_399 = tpu.dynamic_gather %get3A_394[%gather3A_398] in [0] : vector<16xi32>, vector<16xi32> -> vector<16xi32>
      %eq3A_400 = arith.constant 5 : i32
      %eq3A_401 = vector.broadcast %eq3A_400 : i32 to vector<16xi32>
      %eq3A_402 = arith.cmpi eq, %iota3A, %eq3A_401 : vector<16xi32>
      %select_n3A_403 = arith.select %eq3A_402, %gather3A_399, %select_n3A_380 : vector<16xi1>, vector<16xi32>
      %slice3A_404 = vector.extract_strided_slice %max3A_33 {offsets = [6], sizes = [1], strides = [1]} : vector<16xi32> to vector<1xi32>
      %squeeze3A_405 = vector.extract %slice3A_404[0] : i32 from vector<1xi32>
      %and3A_406 = arith.constant 127 : i32
      %and3A_407 = arith.andi %squeeze3A_405, %and3A_406 : i32
      %shift_right_arithmetic3A_408 = arith.constant 4 : i32
      %shift_right_arithmetic3A_409 = arith.shrsi %and3A_407, %shift_right_arithmetic3A_408 : i32
      %shift_left3A_410 = arith.constant 4 : i32
      %shift_left3A_411 = arith.shli %shift_right_arithmetic3A_409, %shift_left3A_410 : i32
      %multiple_of3A_412 = tpu.assume_multiple %shift_left3A_411, 16 : i32
      %get3A_413 = arith.constant 103 : i32
      %get3A_414 = arith.index_cast %get3A_413 : i32 to index
      %get3A_415 = arith.index_cast %multiple_of3A_412 : i32 to index
      %get3A_416 = tpu.vector_load %arg8[%get3A_414, %get3A_415] {strides = array<i32>} : memref<128x128xi32, #tpu.memory_space<vmem>>, vector<1x16xi32>,
      %get3A_417 = vector.shape_cast %get3A_416 : vector<1x16xi32> to vector<16xi32>
      %and3A_418 = arith.constant 15 : i32
      %and3A_419 = arith.andi %squeeze3A_405, %and3A_418 : i32
      %broadcast_in_dim3A_420 = vector.broadcast %and3A_419 : i32 to vector<16x1xi32>
      %gather3A_421 = vector.shape_cast %broadcast_in_dim3A_420 : vector<16x1xi32> to vector<16xi32>
      %gather3A_422 = tpu.dynamic_gather %get3A_417[%gather3A_421] in [0] : vector<16xi32>, vector<16xi32> -> vector<16xi32>
      %eq3A_423 = arith.constant 6 : i32
      %eq3A_424 = vector.broadcast %eq3A_423 : i32 to vector<16xi32>
      %eq3A_425 = arith.cmpi eq, %iota3A, %eq3A_424 : vector<16xi32>
      %select_n3A_426 = arith.select %eq3A_425, %gather3A_422, %select_n3A_403 : vector<16xi1>, vector<16xi32>
      %slice3A_427 = vector.extract_strided_slice %max3A_33 {offsets = [7], sizes = [1], strides = [1]} : vector<16xi32> to vector<1xi32>
      %squeeze3A_428 = vector.extract %slice3A_427[0] : i32 from vector<1xi32>
      %and3A_429 = arith.constant 127 : i32
      %and3A_430 = arith.andi %squeeze3A_428, %and3A_429 : i32
      %shift_right_arithmetic3A_431 = arith.constant 4 : i32
      %shift_right_arithmetic3A_432 = arith.shrsi %and3A_430, %shift_right_arithmetic3A_431 : i32
      %shift_left3A_433 = arith.constant 4 : i32
      %shift_left3A_434 = arith.shli %shift_right_arithmetic3A_432, %shift_left3A_433 : i32
      %multiple_of3A_435 = tpu.assume_multiple %shift_left3A_434, 16 : i32
      %get3A_436 = arith.constant 119 : i32
      %get3A_437 = arith.index_cast %get3A_436 : i32 to index
      %get3A_438 = arith.index_cast %multiple_of3A_435 : i32 to index
      %get3A_439 = tpu.vector_load %arg8[%get3A_437, %get3A_438] {strides = array<i32>} : memref<128x128xi32, #tpu.memory_space<vmem>>, vector<1x16xi32>,
      %get3A_440 = vector.shape_cast %get3A_439 : vector<1x16xi32> to vector<16xi32>
      %and3A_441 = arith.constant 15 : i32
      %and3A_442 = arith.andi %squeeze3A_428, %and3A_441 : i32
      %broadcast_in_dim3A_443 = vector.broadcast %and3A_442 : i32 to vector<16x1xi32>
      %gather3A_444 = vector.shape_cast %broadcast_in_dim3A_443 : vector<16x1xi32> to vector<16xi32>
      %gather3A_445 = tpu.dynamic_gather %get3A_440[%gather3A_444] in [0] : vector<16xi32>, vector<16xi32> -> vector<16xi32>
      %eq3A_446 = arith.constant 7 : i32
      %eq3A_447 = vector.broadcast %eq3A_446 : i32 to vector<16xi32>
      %eq3A_448 = arith.cmpi eq, %iota3A, %eq3A_447 : vector<16xi32>
      %select_n3A_449 = arith.select %eq3A_448, %gather3A_445, %select_n3A_426 : vector<16xi1>, vector<16xi32>
      %gt3A = arith.constant 0 : i32
      %gt3A_450 = vector.broadcast %gt3A : i32 to vector<16xi32>
      %gt3A_451 = arith.cmpi sgt, %get3A_29, %gt3A_450 : vector<16xi32>
      %broadcast_in_dim3A_452 = arith.constant -1 : i32
      %broadcast_in_dim3A_453 = vector.broadcast %broadcast_in_dim3A_452 : i32 to vector<16xi32>
      %select_n3A_454 = arith.select %gt3A_451, %select_n3A_449, %broadcast_in_dim3A_453 : vector<16xi1>, vector<16xi32>
      %swap3A = arith.constant 0 : index
      %swap3A_455 = tpu.vector_load %arg9[%swap3A] {strides = array<i32>} : memref<16xi32, #tpu.memory_space<vmem>>, vector<16xi32>,
      %swap3A_456 = vector.shape_cast %swap3A_455 : vector<16xi32> to vector<16xi32>
      %swap3A_457 = vector.shape_cast %select_n3A_454 : vector<16xi32> to vector<16xi32>
      tpu.vector_store %arg9[%swap3A], %swap3A_457 {strides = array<i32>} : memref<16xi32, #tpu.memory_space<vmem>>, vector<16xi32>,
      "tpu.region"() ({
        %run_scoped3A = tpu.sem_alloc : memref<!tpu.dma_semaphore, #tpu.memory_space<semaphore_mem>>
        %dma_start3A_458 = arith.constant 0 : i32
        %dma_start3A_459 = tpu.memref_slice %arg9[%dma_start3A_458] : memref<16xi32, #tpu.memory_space<vmem>> -> memref<8xi32, #tpu.memory_space<vmem>>
        %dma_start3A_460 = tpu.memref_slice %arg5[%mul3A_2] : memref<64xi32, #tpu.memory_space<hbm>> -> memref<8xi32, #tpu.memory_space<hbm>>
        %dma_start3A_461 = tpu.memref_slice %arg5[%mul3A_2] : memref<64xi32, #tpu.memory_space<hbm>> -> memref<8xi32, #tpu.memory_space<hbm>>
        %dma_start3A_462 = arith.constant 0 : i32
        %dma_start3A_463 = tpu.memref_slice %arg9[%dma_start3A_462] : memref<16xi32, #tpu.memory_space<vmem>> -> memref<8xi32, #tpu.memory_space<vmem>>
        tpu.enqueue_dma source(%dma_start3A_463 : memref<8xi32, #tpu.memory_space<vmem>>) target(%dma_start3A_461 : memref<8xi32, #tpu.memory_space<hbm>>) target_semaphore(%run_scoped3A : memref<!tpu.dma_semaphore, #tpu.memory_space<semaphore_mem>>)
        %dma_wait3A_464 = arith.constant 0 : i32
        %dma_wait3A_465 = tpu.memref_slice %arg9[%dma_wait3A_464] : memref<16xi32, #tpu.memory_space<vmem>> -> memref<8xi32, #tpu.memory_space<vmem>>
        %dma_wait3A_466 = tpu.memref_slice %arg5[%mul3A_2] : memref<64xi32, #tpu.memory_space<hbm>> -> memref<8xi32, #tpu.memory_space<hbm>>
        %dma_wait3A_467 = tpu.memref_slice %arg5[%mul3A_2] : memref<64xi32, #tpu.memory_space<hbm>> -> memref<8xi32, #tpu.memory_space<hbm>>
        %dma_wait3A_468 = arith.constant 0 : i32
        %dma_wait3A_469 = tpu.memref_slice %arg9[%dma_wait3A_468] : memref<16xi32, #tpu.memory_space<vmem>> -> memref<8xi32, #tpu.memory_space<vmem>>
        tpu.wait_dma2 semaphore(%run_scoped3A : memref<!tpu.dma_semaphore, #tpu.memory_space<semaphore_mem>>) src(%dma_wait3A_469 : memref<8xi32, #tpu.memory_space<vmem>>) dst(%dma_wait3A_467 : memref<8xi32, #tpu.memory_space<hbm>>)
        tpu.yield
      }) : () -> ()
    } else {
    }
    return
  }
}

</mosaic_0001>

<sc_bundles>
// kernel: kernel.3.cloned.1.call-start
scs
__scs_entry_jumppad:
0x0: {  	(pc) =	sbr.rel $0x88, $3  }
0x1: {  	(tag) =	ssettag $0x0;
	lr =	simm.s32 $0x1  }
0x2: {  	[smem:$0x3F9E] =	sst lr;
	_ =	strace $0xD0000000  }
0x3: {  	_ = 	snop  }
0x4: {  	_ = 	snop  }
0x5: {  	_ = 	snop  }
0x6: {  	_ = 	snop  }
0x7: {  	_ = 	snop  }
__scs_overlays_trampoline_lowered:
0x8: {  	[smem:$0x3FAD] =	sst s0  }
0x9: {  	[smem:$0x3FAE] =	sst s1  }
0xa: {  	[smem:$0x3FAF] =	sst s2  }
0xb: {  	[smem:$0x3FB0] =	sst s3  }
0xc: {  	[smem:$0x3FB1] =	sst s4  }
0xd: {  	[smem:$0x3FB2] =	sst s5  }
0xe: {  	[smem:$0x3FB3] =	sst s6  }
0xf: {  	[smem:$0x3FB4] =	sst s7  }
0x10: {  	[smem:$0x3FB5] =	sst s8  }
0x11: {  	[smem:$0x3FB6] =	sst s9;
	s0 =	simm.s32 @!p0 $0x0  }
0x12: {  	s1 =	sld [smem:$0x3F9C];
	s0 =	simm.s32 @p0 $0x1  }
0x13: {  	[smem:$0x3FB7] =	sst s0;
	s0 =	simm.s32 @!p1 $0x0  }
0x14: {  	s2 =	sld [smem:$0x3F9B];
	s0 =	simm.s32 @p1 $0x1  }
0x15: {  	[smem:$0x3FB8] =	sst s0;
	s0 =	simm.s32 @!p2 $0x0  }
0x16: {  	s3 =	sld [smem:$0x3FDB];
	s0 =	simm.s32 @p2 $0x1  }
0x17: {  	s4 =	simm.s32 $0x1BF5;
	[smem:$0x3FBA] =	sst s0  }
0x18: {  	s0 =	sld [smem:$0x3F9D];
	_ =	swait.ge [sflag:s4], $0x0  }
0x19: {  	s7 =	sld [smem:$0x3F9E]  }
0x1a: {  	s8 =	sadd.s32 $0xFFFFE003, lr  }
0x1b: {  	s9 =	sadd.s32 $0xFFFFFEF7, lr;
	s5 =	simm.s32 $0xFFFFFFFF;
	p2 =	slt.u32 s8, $0xFFFFF086  }
0x1c: {  	p1 =	slt.u32 s9, $0xF7A;
	s5 =	simm.s32 @!p2 $0x0  }
0x1d: {  	s5 =	simm.s32 @p1 $0x1;
	p0 =	seq.s32 s7, s2  }
0x1e: {  	s7 =	smul.u32 @!p0 $0xF7A, s2;
	p2 =	seq.s32 @!p0 s5, $0x0  }
0x1f: {  	s9 =	smul.u32 $0xF7A, s1;
	s8 =	simm.s32 @!p0 $0x1BF5;
	p2 =	por !p2, p0  }
0x20: {  	[sflag:s8] =	ssyncset.s32 @!p0 $0xFFFFF086;
	s6 =	sadd.s32 @!p0 s3, s7;
	s7 =	simm.s32 @!p0 $0x108  }
0x21: {  	s3 =	sadd.s32 s3, s9;
	s6 =	sadd.s32 @!p0 $0x88, s6;
	s7 =	simm.s32 @p2 $0x1082  }
0x22: {  	[simem:s7], [sflag:s8] =	dma.local @!p0 [hbm:s6], $0xF7A  }
0x23: {  	s9 =	sor.u32 $0xD0000000, s2;
	s6 =	simm.s32 $0x108;
	_ =	swait.ge @!p0 [sflag:s8], $0x0  }
0x24: {  	s3 =	sadd.s32 $0x88, s3;
	s6 =	simm.s32 @!p1 $0x1082;
	[sflag:s4] =	ssyncset.s32 $0xFFFFF086  }
0x25: {  	[simem:s6], [sflag:s4] =	dma.local [hbm:s3], $0xF7A  }
0x26: {  	[smem:$0x3F9E] =	sst s1;
	(tag) =	ssettag s2;
	_ =	strace s9  }
0x27: {  	s1 =	sld [smem:$0x3FAE]  }
0x28: {  	s2 =	sld [smem:$0x3FAF]  }
0x29: {  	s4 =	sld [smem:$0x3FB1]  }
0x2a: {  	p0 =	seq.s32 s5, $0x0;
	s5 =	sld [smem:$0x3FB2]  }
0x2b: {  	s6 =	sld [smem:$0x3FB3]  }
0x2c: {  	s7 =	sld [smem:$0x3FB4]  }
0x2d: {  	s3 =	simm.s32 $0x108;
	s8 =	sld [smem:$0x3FB5]  }
0x2e: {  	s3 =	simm.s32 @!p0 $0x1082;
	s9 =	sld [smem:$0x3FB6]  }
0x2f: {  	lr =	sadd.s32 s0, s3;
	s0 =	sld [smem:$0x3FAD]  }
0x30: {  	s3 =	sld [smem:$0x3FB0]  }
0x31: {  	[smem:$0x3FB9] =	sst s10  }
0x32: {  	s10 =	sld [smem:$0x3FB7];
	_ =	sdelay $0x3  }
0x33: {  	p0 =	seq.s32 s10, $0x1;
	s10 =	sld [smem:$0x3FB9];
	_ =	sdelay $0x3  }
0x34: {  	[smem:$0x3FB9] =	sst s10  }
0x35: {  	s10 =	sld [smem:$0x3FB8];
	_ =	sdelay $0x3  }
0x36: {  	p1 =	seq.s32 s10, $0x1;
	s10 =	sld [smem:$0x3FB9];
	_ =	sdelay $0x3  }
0x37: {  	[smem:$0x3FB9] =	sst s10  }
0x38: {  	s10 =	sld [smem:$0x3FBA]  }
0x39: {  	_ = 	snop;
	(pc) =	sbr.ind lr, $3  }
0x3a: {  	_ = 	snop  }
0x3b: {  	_ = 	snop  }
0x3c: {  	p2 =	seq.s32 s10, $0x1;
	s10 =	sld [smem:$0x3FB9]  }
0x3d: {  	_ =	shalt  }
0x3e: {  	_ =	shalt  }
0x3f: {  	_ =	shalt  }
0x40: {  	_ =	shalt  }
0x41: {  	_ =	shalt  }
0x42: {  	_ =	shalt  }
0x43: {  	_ =	shalt  }
0x44: {  	_ =	shalt  }
0x45: {  	_ =	shalt  }
0x46: {  	_ =	shalt  }
0x47: {  	_ =	shalt  }
0x48: {  	_ =	shalt  }
0x49: {  	_ =	shalt  }
0x4a: {  	_ =	shalt  }
0x4b: {  	_ =	shalt  }
0x4c: {  	_ =	shalt  }
0x4d: {  	_ =	shalt  }
0x4e: {  	_ =	shalt  }
0x4f: {  	_ =	shalt  }
0x50: {  	_ =	shalt  }
0x51: {  	_ =	shalt  }
0x52: {  	_ =	shalt  }
0x53: {  	_ =	shalt  }
0x54: {  	_ =	shalt  }
0x55: {  	_ =	shalt  }
0x56: {  	_ =	shalt  }
0x57: {  	_ =	shalt  }
0x58: {  	_ =	shalt  }
0x59: {  	_ =	shalt  }
0x5a: {  	_ =	shalt  }
0x5b: {  	_ =	shalt  }
0x5c: {  	_ =	shalt  }
0x5d: {  	_ =	shalt  }
0x5e: {  	_ =	shalt  }
0x5f: {  	_ =	shalt  }
0x60: {  	_ =	shalt  }
0x61: {  	_ =	shalt  }
0x62: {  	_ =	shalt  }
0x63: {  	_ =	shalt  }
0x64: {  	_ =	shalt  }
0x65: {  	_ =	shalt  }
0x66: {  	_ =	shalt  }
0x67: {  	_ =	shalt  }
0x68: {  	_ =	shalt  }
0x69: {  	_ =	shalt  }
0x6a: {  	_ =	shalt  }
0x6b: {  	_ =	shalt  }
0x6c: {  	_ =	shalt  }
0x6d: {  	_ =	shalt  }
0x6e: {  	_ =	shalt  }
0x6f: {  	_ =	shalt  }
0x70: {  	_ =	shalt  }
0x71: {  	_ =	shalt  }
0x72: {  	_ =	shalt  }
0x73: {  	_ =	shalt  }
0x74: {  	_ =	shalt  }
0x75: {  	_ =	shalt  }
0x76: {  	_ =	shalt  }
0x77: {  	_ =	shalt  }
0x78: {  	_ =	shalt  }
0x79: {  	_ =	shalt  }
0x7a: {  	_ =	shalt  }
0x7b: {  	_ =	shalt  }
0x7c: {  	_ =	shalt  }
0x7d: {  	_ =	shalt  }
0x7e: {  	_ =	shalt  }
0x7f: {  	_ =	shalt  }
0x80: {  	_ =	shalt  }
0x81: {  	_ =	shalt  }
0x82: {  	_ =	shalt  }
0x83: {  	_ =	shalt  }
0x84: {  	_ =	shalt  }
0x85: {  	_ =	shalt  }
0x86: {  	_ =	shalt  }
0x87: {  	_ =	shalt  }
.Lfunc_end0:
.L_simem_size_0:
called_computation_lowered:
.L_overlay_start_0:
0x88: {  	s0 =	sld [smem:$0x3FD9]  }
0x89: {  	s1 =	sld [smem:$0x3FFE];
	_ =	sdelay $0x3  }
0x8a: {  	s0 =	sadd.s32 s1, s0  }
0x8b: {  	[smem:$0x3FC5] =	sst s0  }
0x8c: {  	_ = 	snop  }
0x8d: {  	s0 =	sld [smem:$0x3FC9]  }
0x8e: {  	s17 =	sld [smem:$0x3FC8]  }
0x8f: {  	s2 =	sld [smem:$0x3FC7]  }
0x90: {  	s3 =	sld [smem:$0x3FD0];
	(tm) =	ssettm $0x1  }
0x91: {  	s4 =	sld [smem:$0x3FFB];
	_ =	sdelay $0x3  }
0x92: {  	_ =	strace s4  }
0x93: {  	s4 =	sld [smem:$0x3FFC];
	_ =	sdelay $0x3  }
0x94: {  	_ =	strace s4  }
0x95: {  	s4 =	sld [smem:$0x3FFD];
	_ =	sdelay $0x3  }
0x96: {  	_ =	strace s4  }
0x97: {  	_ =	strace $0x8FFFFFFF  }
0x98: {  	s18 =	sld [smem:$0x3FDB];
	_ =	sdelay $0x1  }
0x99: {  	s5 =	simm.s32 $_scs_section_size  }
0x9a: {  	s6 =	simm.s32 $_size__tile_overlayer_lowered;
	s7 =	simm.s32 $_tile_overlayer_lowered  }
0x9b: {  	s21 =	simm.s32 $0x1BFF;
	s20 =	sshll.u32 s7, $0x1;
	s4 =	sadd.s32 s5, s18  }
0x9c: {  	s8 =	simm.s32 $0x0;
	s19 =	sshll.u32 s6, $0x1;
	s6 =	sadd.s32 s20, s4  }
0x9d: {  	[timem:s8], [sflag:s21] =	dma.local [hbm:s6], s19  }
0x9e: {  	_ =	swait.ge [sflag:s21], s19  }
0x9f: {  	s5 =	ssub.s32 $0x0, s19;
	[sflag:s21] =	ssyncset.done $0x0  }
0xa0: {  	[sflag:s21] =	ssyncadd.s32 s5;
	_ =	sdelay $0x1  }
0xa1: {  	s22 =	simm.s32 $0x1B8B  }
0xa2: {  	_ =	swait.ge [sflag:s22], $0x1  }
0xa3: {  	[sflag:s22] =	ssyncset.done $0x0  }
0xa4: {  	s23 =	simm.s32 $0x1B8E;
	[sflag:s22] =	ssyncadd.s32 $0xFFFFFFFF  }
0xa5: {  	s24 =	simm.s32 $execute0_lowered;
	[smem:$0x3FD2] =	sst s23  }
0xa6: {  	s5 =	sshll.u32 s24, $0x1;
	_ =	strace $0x80000046;
	[dreg:$0x1] =	wrdreg $0xFFFFFFFF  }
0xa7: {  	s25 =	simm.s32 $_size_execute0_lowered;
	s4 =	sadd.s32 s4, s5;
	[dreg:$0x0] =	wrdreg $0x0  }
0xa8: {  	s5 =	sshll.u32 s25, $0x1;
	[dreg:$0x2] =	wrdreg s4  }
0xa9: {  	[dreg:$0x3] =	wrdreg s5  }
0xaa: {  	[dreg:$0x4] =	wrdreg $0xC0  }
0xab: {  	_ =	task [dreg:s8], $0x5FFFF  }
0xac: {  	[dreg:$0x1] =	wrdreg $0xFFFFFFFF  }
0xad: {  	[dreg:$0x0] =	wrdreg $0x60  }
0xae: {  	[dreg:$0x2] =	wrdreg s0  }
0xaf: {  	[dreg:$0x3] =	wrdreg s17  }
0xb0: {  	[dreg:$0x4] =	wrdreg s2  }
0xb1: {  	[dreg:$0x5] =	wrdreg s3  }
0xb2: {  	[dreg:$0x6] =	wrdreg $0x9  }
0xb3: {  	_ =	task.clear_ibuf [dreg:s8], $0x7FFFF;
	_ =	strace $0x90000046  }
0xb4: {  	s26 =	simm.s32 $0x9;
	_ =	strace $0x80000048  }
0xb5: {  	_ =	swait.ge [sflag:s26], $0x1  }
0xb6: {  	[sflag:s26] =	ssyncadd.s32 $0xFFFFFFFF  }
0xb7: {  	_ =	strace $0x90000048  }
0xb8: {  	_ =	sfence  }
0xb9: {  	s28 =	sld [smem:$0x0];
	_ =	sdelay $0x1  }
0xba: {  	s29 =	srdreg.scid  }
0xbb: {  	s30 =	sshll.u32 s29, $0xD;
	s31 =	sshrl.u32 s29, $0x2  }
0xbc: {  	s1 =	sand.u32 $0x1, s29;
	s2 =	sand.u32 $0x4000, s30;
	s0 =	sadd.s32 s31, s28  }
0xbd: {  	s1 =	sor.u32 s2, s1;
	s0 =	sshll.u32 s0, $0x11  }
0xbe: {  	s0 =	sor.u32 s0, s1  }
0xbf: {  	s0 =	sadd.s32 $0x8F2B, s0  }
0xc0: {  	[sflag:s0] =	ssyncadd.remote.s32 $0x1  }
0xc1: {  	_ =	sfence.sel $0xFFFF  }
0xc2: {  	[dreg:$0x0] =	wrdreg $0xFFFFFFFF;
	(pc) =	sbr.abs _section_cstart, $3  }
0xc3: {  	[dreg:$0x1] =	wrdreg $0xFFFFFFFF  }
0xc4: {  	_ =	task.clear_ibuf [dreg:s8], $0x2FFFF;
	_ =	strace $0x9FFFFFFF  }
0xc5: {  	(tm) =	ssettm $0x7FFFFFFF  }
tec
execute0_lowered:
.L_overlay_start_1:
0x0: {  	(tag) =	ssettag $0x1  }
0x1: {  	s1 =	stileid.u32  }
0x2: {  	s5 =	rddreg [dreg:$0x0];
	p0 =	sgt.u32 s1, $0x7  }
.Ltmp0:
0x3: {  	s6 =	rddreg [dreg:$0x1];
	(pc) =	sbr.rel @p0 .LBB2_2-.Ltmp0, $4  }
0x4: {  	s4 =	rddreg [dreg:$0x2]  }
0x5: {  	s3 =	rddreg [dreg:$0x3];
	s2 =	simm.s32 $0x0  }
0x6: {  	[smem:$0x7FF] =	sst s2  }
0x7: {  	s0 =	rddreg [dreg:$0x4];
	_ =	strace $0x80000047  }
0x8: {  	s6 =	sadd.s32 s6, s1  }
0x9: {  	[tilespmem:s2], [sflag:$0x2] =	stream.linear.gather [hbm4b:s6+s2], $0x8, $0x38;
	[tilespmem:$0x4180] =	vst v63  }
0xa: {  	s4 =	sadd.s32 s4, s1;
	s14 =	simm.s32 $0x80  }
0xb: {  	[tilespmem:s14], [sflag:$0x2] =	stream.linear.gather [hbm4b:s4+s2], $0x8, $0x38;
	[tilespmem:$0x4180] =	vst v63  }
0xc: {  	s4 =	simm.s32 $0x2  }
0xd: {  	_ =	swait.ge [sflag:s4], $0x8  }
0xe: {  	[sflag:s4] =	ssyncset.done $0x0  }
0xf: {  	[sflag:s4] =	ssyncadd.s32 $0xFFFFFFF8  }
0x10: {  	_ =	swait.ge [sflag:s4], $0x8  }
0x11: {  	[sflag:s4] =	ssyncset.done $0x0  }
0x12: {  	[sflag:s4] =	ssyncadd.s32 $0xFFFFFFF8  }
0x13: {  	v0 =	vld [tilespmem:$0x80];
	_ =	sdelay $0x3  }
0x14: {  	v2 =	vld [tilespmem:$0x0]  }
0x15: {  	v1 =	vadd.s32 $0xFFFFFFFF, v0  }
0x16: {  	vm0 =	vgt.s32 v1, $0x0  }
0x17: {  	v1 =	vnsel vm0, $0x0, v1  }
0x18: {  	(v2sf) =	vpush v1, $0x0  }
0x19: {  	(v2sf) =	vpush v2, $0x0;
	_ =	sdelay $0x6  }
0x1a: {  	(v2sf) =	vpush v1, $0x1  }
0x1b: {  	(v2sf) =	vpush v2, $0x1;
	_ =	sdelay $0x5  }
0x1c: {  	s6 =	spop (v2sf)  }
0x1d: {  	s7 =	spop (v2sf);
	(v2sf) =	vpush v1, $0x2  }
0x1e: {  	s9 =	sshll.u32 s6, $0x3;
	s8 =	sshll.u32 s7, $0xD;
	(v2sf) =	vpush v2, $0x2  }
0x1f: {  	s9 =	sand.u32 $0x7FFFFC00, s9;
	s7 =	sxor.u32 $0xFFFFFFFF, s7;
	s8 =	sand.u32 $0x7FFF0000, s8  }
0x20: {  	s7 =	sshll.u32 s7, $0x7;
	s8 =	sadd.s32 s8, s9  }
0x21: {  	s7 =	sand.u32 $0x380, s7;
	s8 =	sshrl.u32 s8, $0x3  }
0x22: {  	s7 =	sadd.s32 $0x100, s7;
	s8 =	sadd.s32 s5, s8  }
0x23: {  	[tilespmem:s7], [sflag:$0x1] =	stream.linear.gather [hbm4b:s8+s2], $0x400, $0x38;
	[tilespmem:$0x4180] =	vst v63  }
0x24: {  	s7 =	spop (v2sf)  }
0x25: {  	(v2sf) =	vpush v1, $0x3;
	s15 =	spop (v2sf)  }
0x26: {  	s10 =	sshll.u32 s7, $0x3;
	(v2sf) =	vpush v2, $0x3;
	s16 =	sshll.u32 s15, $0xD  }
0x27: {  	s10 =	sand.u32 $0x7FFFFC00, s10;
	s9 =	sand.u32 $0x7FFF0000, s16  }
0x28: {  	s8 =	sshll.u32 s15, $0x7;
	s9 =	sadd.s32 s9, s10  }
0x29: {  	(v2sf) =	vpush v1, $0x4;
	s8 =	sand.u32 $0x380, s8;
	s9 =	sshrl.u32 s9, $0x3  }
0x2a: {  	(v2sf) =	vpush v2, $0x4;
	s8 =	ssub.s32 $0xC80, s8;
	s9 =	sadd.s32 s5, s9  }
0x2b: {  	[tilespmem:s8], [sflag:$0x1] =	stream.linear.gather [hbm4b:s9+s2], $0x400, $0x38;
	[tilespmem:$0x4180] =	vst v63  }
0x2c: {  	s8 =	spop (v2sf)  }
0x2d: {  	s17 =	spop (v2sf)  }
0x2e: {  	(v2sf) =	vpush v1, $0x5;
	s11 =	sshll.u32 s8, $0x3;
	s18 =	sshll.u32 s17, $0xD  }
0x2f: {  	(v2sf) =	vpush v2, $0x5;
	s11 =	sand.u32 $0x7FFFFC00, s11;
	s10 =	sand.u32 $0x7FFF0000, s18  }
0x30: {  	s9 =	sshll.u32 s17, $0x7;
	s10 =	sadd.s32 s10, s11  }
0x31: {  	s9 =	sand.u32 $0x380, s9;
	s10 =	sshrl.u32 s10, $0x3  }
0x32: {  	s9 =	ssub.s32 $0x1480, s9;
	s10 =	sadd.s32 s5, s10  }
0x33: {  	[tilespmem:s9], [sflag:$0x1] =	stream.linear.gather [hbm4b:s10+s2], $0x400, $0x38;
	[tilespmem:$0x4180] =	vst v63  }
0x34: {  	s10 =	spop (v2sf)  }
0x35: {  	(v2sf) =	vpush v1, $0x6;
	s19 =	spop (v2sf)  }
0x36: {  	s12 =	sshll.u32 s10, $0x3;
	s20 =	sshll.u32 s19, $0xD  }
0x37: {  	(v2sf) =	vpush v2, $0x6;
	s12 =	sand.u32 $0x7FFFFC00, s12;
	s9 =	sshll.u32 s19, $0x7;
	s11 =	sand.u32 $0x7FFF0000, s20  }
0x38: {  	s21 =	sand.u32 $0x380, s9;
	s9 =	spop (v2sf);
	s11 =	sadd.s32 s11, s12  }
0x39: {  	s12 =	ssub.s32 $0x1C80, s21;
	s22 =	spop (v2sf);
	s11 =	sshrl.u32 s11, $0x3  }
0x3a: {  	s13 =	sshll.u32 s9, $0x3;
	s23 =	sshll.u32 s22, $0xD;
	s11 =	sadd.s32 s5, s11  }
0x3b: {  	[tilespmem:s12], [sflag:$0x1] =	stream.linear.gather [hbm4b:s11+s2], $0x400, $0x38;
	[tilespmem:$0x4180] =	vst v63  }
0x3c: {  	(v2sf) =	vpush v2, $0x7;
	s13 =	sand.u32 $0x7FFFFC00, s13;
	s12 =	sand.u32 $0x7FFF0000, s23;
	s11 =	sshll.u32 s22, $0x7  }
0x3d: {  	s12 =	sadd.s32 s12, s13;
	s24 =	sand.u32 $0x380, s11;
	s11 =	spop (v2sf)  }
0x3e: {  	(v2sf) =	vpush v1, $0x7;
	s12 =	sshrl.u32 s12, $0x3;
	s14 =	spop (v2sf);
	s13 =	ssub.s32 $0x2480, s24  }
0x3f: {  	s26 =	sshll.u32 s11, $0x3;
	s12 =	sadd.s32 s5, s12;
	s25 =	sshll.u32 s14, $0xD  }
0x40: {  	[tilespmem:s13], [sflag:$0x2] =	stream.linear.gather [hbm4b:s12+s2], $0x400, $0x38;
	[tilespmem:$0x4180] =	vst v63  }
0x41: {  	s12 =	sand.u32 $0x7FFF0000, s25;
	s13 =	sand.u32 $0x7FFFFC00, s26  }
0x42: {  	s14 =	sshll.u32 s14, $0x7;
	s13 =	sadd.s32 s12, s13  }
0x43: {  	s14 =	sand.u32 $0x380, s14;
	s13 =	sshrl.u32 s13, $0x3  }
0x44: {  	s14 =	ssub.s32 $0x2C80, s14;
	s13 =	sadd.s32 s5, s13;
	s12 =	spop (v2sf)  }
0x45: {  	[tilespmem:s14], [sflag:$0x2] =	stream.linear.gather [hbm4b:s13+s2], $0x400, $0x38;
	[tilespmem:$0x4180] =	vst v63  }
0x46: {  	s15 =	spop (v2sf)  }
0x47: {  	s29 =	sshll.u32 s12, $0x3;
	s28 =	sshll.u32 s15, $0xD  }
0x48: {  	s14 =	sand.u32 $0x7FFFFC00, s29;
	s13 =	sand.u32 $0x7FFF0000, s28  }
0x49: {  	s30 =	sshll.u32 s15, $0x7;
	s13 =	sadd.s32 s13, s14  }
0x4a: {  	s14 =	sand.u32 $0x380, s30;
	s13 =	sshrl.u32 s13, $0x3  }
0x4b: {  	s31 =	spop (v2sf);
	s14 =	ssub.s32 $0x3480, s14;
	s13 =	sadd.s32 s5, s13  }
0x4c: {  	[tilespmem:s14], [sflag:$0x2] =	stream.linear.gather [hbm4b:s13+s2], $0x400, $0x38;
	[tilespmem:$0x4180] =	vst v63  }
0x4d: {  	s17 =	spop (v2sf)  }
0x4e: {  	s18 =	sshll.u32 s31, $0xD;
	s16 =	sshll.u32 s17, $0x3  }
0x4f: {  	s14 =	sand.u32 $0x7FFF0000, s18;
	s16 =	sand.u32 $0x7FFFFC00, s16  }
0x50: {  	s15 =	sshll.u32 s31, $0x7;
	s14 =	sadd.s32 s14, s16  }
0x51: {  	s15 =	sand.u32 $0x380, s15;
	s14 =	sshrl.u32 s14, $0x3  }
0x52: {  	s20 =	simm.s32 $0x1;
	s15 =	ssub.s32 $0x3C80, s15;
	s19 =	sadd.s32 s5, s14  }
0x53: {  	[tilespmem:s15], [sflag:$0x2] =	stream.linear.gather [hbm4b:s19+s2], $0x400, $0x38;
	[tilespmem:$0x4180] =	vst v63  }
0x54: {  	_ =	swait.ge [sflag:s20], $0x400  }
0x55: {  	[sflag:s20] =	ssyncset.done $0x0  }
0x56: {  	[sflag:s20] =	ssyncadd.s32 $0xFFFFFC00  }
0x57: {  	_ =	swait.ge [sflag:s20], $0x400  }
0x58: {  	[sflag:s20] =	ssyncset.done $0x0  }
0x59: {  	[sflag:s20] =	ssyncadd.s32 $0xFFFFFC00  }
0x5a: {  	_ =	swait.ge [sflag:s20], $0x400  }
0x5b: {  	[sflag:s20] =	ssyncset.done $0x0  }
0x5c: {  	[sflag:s20] =	ssyncadd.s32 $0xFFFFFC00  }
0x5d: {  	_ =	swait.ge [sflag:s20], $0x400  }
0x5e: {  	[sflag:s20] =	ssyncset.done $0x0  }
0x5f: {  	s21 =	sand.u32 $0x70, s6;
	[sflag:s20] =	ssyncadd.s32 $0xFFFFFC00  }
0x60: {  	s22 =	sand.u32 $0x70, s7;
	v54 =	vld [tilespmem:s21+$0x480]  }
0x61: {  	s23 =	sand.u32 $0x70, s8;
	v3 =	vld [tilespmem:s22+$0xC80]  }
0x62: {  	s24 =	sand.u32 $0x70, s10;
	v4 =	vld [tilespmem:s23+$0x1480]  }
0x63: {  	v5 =	vld [tilespmem:s24+$0x1C80];
	_ =	swait.ge [sflag:s4], $0x400  }
0x64: {  	[sflag:s4] =	ssyncset.done $0x0  }
0x65: {  	[sflag:s4] =	ssyncadd.s32 $0xFFFFFC00  }
0x66: {  	_ =	swait.ge [sflag:s4], $0x400  }
0x67: {  	[sflag:s4] =	ssyncset.done $0x0  }
0x68: {  	[sflag:s4] =	ssyncadd.s32 $0xFFFFFC00  }
0x69: {  	_ =	swait.ge [sflag:s4], $0x400  }
0x6a: {  	[sflag:s4] =	ssyncset.done $0x0  }
0x6b: {  	[sflag:s4] =	ssyncadd.s32 $0xFFFFFC00  }
0x6c: {  	_ =	swait.ge [sflag:s4], $0x400  }
0x6d: {  	[sflag:s4] =	ssyncset.done $0x0  }
0x6e: {  	vm7 =	vmmov $0x1;
	v6 =	vbroadcast v1, $0x0;
	s25 =	sand.u32 $0x70, s9;
	[sflag:s4] =	ssyncadd.s32 $0xFFFFFC00  }
0x6f: {  	vm8 =	vcmask $0x320;
	vm9 =	vcmask $0x720;
	v7 =	vbroadcast v1, $0x1;
	s26 =	sand.u32 $0x70, s11;
	v56 =	vld [tilespmem:s25+$0x2480]  }
0x70: {  	vm10 =	vcmask $0xB20;
	v55 =	vbroadcast v1, $0x2;
	s28 =	sand.u32 $0x70, s12;
	v2 =	vperm.xlane v54, v6;
	v9 =	vld [tilespmem:s26+$0x2C80]  }
0x71: {  	vm11 =	vcmask $0xF20;
	v8 =	vbroadcast v1, $0x3;
	s29 =	sand.u32 $0x70, s17;
	v3 =	vperm.xlane v3, v7;
	v58 =	vld [tilespmem:s28+$0x3480]  }
0x72: {  	v59 =	vbroadcast v1, $0x4;
	v57 =	vperm.xlane v4, v55;
	v2 =	vnsel vm7, $0xFFFFFFFF, v2;
	v60 =	vld [tilespmem:s29+$0x3C80]  }
0x73: {  	v61 =	vbroadcast v1, $0x5;
	v5 =	vperm.xlane v5, v8;
	v2 =	vsel vm8, v2, v3  }
0x74: {  	v63 =	vbroadcast v1, $0x6;
	v2 =	vsel vm9, v2, v57;
	v62 =	vperm.xlane v56, v59  }
0x75: {  	v1 =	vbroadcast v1, $0x7;
	v2 =	vsel vm10, v2, v5;
	v3 =	vperm.xlane v9, v61  }
0x76: {  	vm12 =	vcmask $0x1320;
	v4 =	vperm.xlane v58, v63;
	v2 =	vsel vm11, v2, v62  }
0x77: {  	vm13 =	vcmask $0x1720;
	v1 =	vperm.xlane v60, v1;
	v2 =	vsel vm12, v2, v3  }
0x78: {  	vm14 =	vcmask $0x1B20;
	v2 =	vsel vm13, v2, v4  }
0x79: {  	vm15 =	vgt.s32 v0, $0x0;
	v1 =	vsel vm14, v2, v1  }
0x7a: {  	v0 =	vnsel vm15, $0xFFFFFFFF, v1  }
0x7b: {  	s3 =	sadd.s32 s3, s1;
	s30 =	simm.s32 $0x4100;
	s31 =	simm.s32 $0x3;
	[tilespmem:$0x4100] =	vst v0  }
0x7c: {  	[hbm4b:s3+s2] =	stream.linear.scatter [tilespmem:s30], [sflag:$0x3], $0x8, $0x38;
	[tilespmem:$0x4180] =	vst v63  }
0x7d: {  	_ =	swait.ge [sflag:s31], $0x8  }
0x7e: {  	[sflag:s31] =	ssyncset.done $0x0  }
0x7f: {  	[sflag:s31] =	ssyncadd.s32 $0xFFFFFFF8  }
.LBB2_2:
0x80: {  	_ =	sfence.sel $0x180000  }
0x81: {  	[bflag:$0x0] =	sbarrier.arrive $0xFFFF  }
0x82: {  	p0 =	sne.s32 s1, $0x0;
	_ =	strace $0x90000047  }
0x83: {  	s0 =	sadd.s32 @!p0 $0x100000, s0;
	[bflag:$0x2] =	sbarrier.arrive $0xFFFF  }
0x84: {  	[sflag:s0] =	ssyncadd.tile.s32 @!p0 $0x1;
	_ =	shalt  }
.Lfunc_end2:
_tile_overlayer_lowered:
.L_overlay_start_2:
0x85: {  	(tag) =	ssettag $0x2  }
0x86: {  	s0 =	rddreg [dreg:$0x0];
	s2 =	stileid.u32  }
0x87: {  	s1 =	rddreg [dreg:$0x1];
	p0 =	sne.s32 s2, $0x0  }
0x88: {  	s3 =	rddreg [dreg:$0x2];
	[bflag:$0x3] =	sbarrier.arrive $0xFFFF;
	s2 =	simm.s32 @!p0 $0x1C03  }
0x89: {  	[timem:s3], [sflag:s2] =	dma.local @!p0 [hbm:s0], s1  }
0x8a: {  	s0 =	simm.s32 @!p0 $0x3  }
0x8b: {  	_ =	swait.ge @!p0 [sflag:s0], s1  }
0x8c: {  	s1 =	ssub.s32 @!p0 $0x0, s1;
	[sflag:s0] =	ssyncset.done @!p0 $0x0  }
0x8d: {  	[sflag:s0] =	ssyncadd.s32 @!p0 s1  }
0x8e: {  	[bflag:$0x3] =	sbarrier.arrive $0xFFFF  }
0x8f: {  	_ =	shalt  }

</sc_bundles>
